<compile_context>
chip_gen: v7x
topology: tpu7x:2x2x1
jax: 0.10.2.dev20260603
libtpu: 0.0.44.dev20260713+nightly
codegen_flags: <defaults>
</compile_context>

<pallas_src>
import functools

import jax
import jax.numpy as jnp
from jax import lax
from jax.experimental import pallas as pl
from jax.experimental.pallas import tpu as pltpu
from jax.experimental.pallas import tpu_sc as plsc

K_RATIO = 0.04
SIM_THRESHOLD = 0.6


def _cumsum_incl(v):
    hw = v.shape[1]
    d = 1
    while d < hw:
        padded = lax.pad(v, jnp.float32(0.0), ((0, 0, 0), (d, 0, 0)))
        shifted = lax.slice(padded, (0, 0), (1, hw))
        v = v + shifted
        d *= 2
    return v


def _onehot_dot(s, x, dims):
    sb = s.astype(jnp.bfloat16)
    hi = x.astype(jnp.bfloat16)
    r = x - hi.astype(jnp.float32)
    mid = r.astype(jnp.bfloat16)
    lo = (r - mid.astype(jnp.float32)).astype(jnp.bfloat16)
    acc = lax.dot_general(sb, hi, dims, preferred_element_type=jnp.float32)
    acc = acc + lax.dot_general(sb, mid, dims,
                                preferred_element_type=jnp.float32)
    acc = acc + lax.dot_general(sb, lo, dims,
                                preferred_element_type=jnp.float32)
    return acc


def _mega_body(nsel, nsp, nb, x_ref, w_ref, b_ref, outc_ref, pixl_ref,
               upd_ref, feats_s):
    i = pl.program_id(0)

    @pl.when(i < nb)
    def _a_phase():
        xb = x_ref[0]
        outc_ref[0] = xb
        hw = xb.shape[1]
        score = jnp.mean(jnp.abs(xb), axis=0, keepdims=True)
        sbits = lax.bitcast_convert_type(score, jnp.int32)

        nself = jnp.float32(nsel)

        def bs_body(_, carry):
            lo, hi = carry
            mid = lo + ((hi - lo + 1) >> 1)
            cnt = jnp.sum((sbits >= mid).astype(jnp.float32))
            take = cnt >= nself
            return (jnp.where(take, mid, lo), jnp.where(take, hi, mid))

        lo, hi = lax.fori_loop(0, 31, bs_body,
                               (jnp.int32(0), jnp.int32(0x7F800000)))
        cnt_gt = jnp.sum((sbits > lo).astype(jnp.float32))

        eq = sbits == lo
        eqf = eq.astype(jnp.float32)
        rank_eq_excl = _cumsum_incl(eqf) - eqf
        sel = (sbits > lo) | (eq & (rank_eq_excl < (nself - cnt_gt)))
        self32 = sel.astype(jnp.float32)
        pos0 = _cumsum_incl(self32) - 1.0
        possel = jnp.where(sel, pos0.astype(jnp.int32), jnp.int32(-1))

        niota = lax.broadcasted_iota(jnp.int32, (nsp, hw), 0)
        s_mat = (possel == niota).astype(jnp.float32)
        feats = _onehot_dot(s_mat, xb, (((1,), (1,)), ((), ())))
        feats_s[pl.ds(i * nsp, nsp), :] = feats

        sb = s_mat.astype(jnp.bfloat16)
        hwf = lax.broadcasted_iota(jnp.int32, (1, hw), 1).astype(jnp.float32)
        hi2 = hwf.astype(jnp.bfloat16)
        lo2 = (hwf - hi2.astype(jnp.float32)).astype(jnp.bfloat16)
        dims = (((1,), (1,)), ((), ()))
        pixf = lax.dot_general(hi2, sb, dims,
                               preferred_element_type=jnp.float32)
        pixf = pixf + lax.dot_general(lo2, sb, dims,
                                      preferred_element_type=jnp.float32)
        pixl_ref[0] = pixf.astype(jnp.int32)

    @pl.when(i == nb)
    def _graph_phase():
        f = feats_s[...]
        n2 = jnp.sum(f * f, axis=1, keepdims=True)
        nrm = f / (jnp.sqrt(n2) + 1e-12)
        sim = lax.dot_general(nrm, nrm, (((1,), (1,)), ((), ())),
                              preferred_element_type=jnp.float32,
                              precision=lax.Precision.HIGHEST)
        inv = (1.0 - sim) * 0.5
        thr = (1.0 - SIM_THRESHOLD) * 0.5
        adj = jnp.where(inv < thr, inv, 0.0)
        h = lax.dot_general(f, w_ref[...], (((1,), (0,)), ((), ())),
                            preferred_element_type=jnp.float32) + b_ref[...]
        upd = lax.dot_general(adj, h, (((1,), (0,)), ((), ())),
                              preferred_element_type=jnp.float32)
        upd_ref[...] = jnp.maximum(upd, 0.0)


def _sc_scatter(outc_flat, pixlist_flat, upd, B, C, HW, NSP, nsel):
    NROWS = B * NSP
    PER = 48
    NACT = NROWS // PER
    CHW = C * HW
    mesh = plsc.VectorSubcoreMesh(core_axis_name="c", subcore_axis_name="s")

    @functools.partial(
        pl.kernel,
        mesh=mesh,
        out_type=(),
        scratch_types=[
            pltpu.VMEM((PER + 16,), jnp.int32),
            pltpu.VMEM((PER, 192), jnp.float32),
            pltpu.SemaphoreType.DMA,
            pltpu.SemaphoreType.DMA,
        ],
    )
    def body(out_hbm, pixl_hbm, upd_hbm, pix_v, rows_v, lsem, ssem):
        wid = lax.axis_index("s") * 2 + lax.axis_index("c")

        @pl.when(wid < NACT)
        def _():
            k0 = wid * PER
            pltpu.async_copy(pixl_hbm.at[pl.ds(k0, PER)],
                             pix_v.at[pl.ds(0, PER)], lsem)
            pltpu.async_copy(upd_hbm.at[pl.ds(k0, PER)], rows_v, lsem)
            pltpu.make_async_copy(pixl_hbm.at[pl.ds(0, PER)],
                                  pix_v.at[pl.ds(0, PER)], lsem).wait()
            pltpu.make_async_copy(upd_hbm.at[pl.ds(0, PER)], rows_v,
                                  lsem).wait()

            ci = lax.iota(jnp.int32, 16)

            def scat(j, cnt):
                n = lax.rem(k0 + j, NSP)
                valid = n < nsel

                @pl.when(valid)
                def _():
                    pix = pix_v[pl.ds(j, 16)][0]
                    base = ((k0 + j) // NSP) * CHW + pix
                    for g in range(C // 16):
                        iv = (ci + jnp.full((16,), g * 16, jnp.int32)) * HW \
                            + jnp.full((16,), base, jnp.int32)
                        pltpu.async_copy(rows_v.at[j, pl.ds(g * 16, 16)],
                                         out_hbm.at[iv], ssem)

                return cnt + jnp.where(valid, jnp.int32(1), jnp.int32(0))

            cnt = lax.fori_loop(0, PER, scat, jnp.int32(0))

            def drain(i, _):
                pltpu.make_async_copy(upd_hbm.at[0, pl.ds(0, 16)],
                                      pix_v.at[pl.ds(0, 16)], ssem).wait()
                return 0

            lax.fori_loop(0, cnt * (C // 16), drain, 0)

    outr = jax.new_ref(outc_flat)
    body(outr, pixlist_flat, upd)
    return outr[...]


def kernel(x, W_gcn, b_gcn):
    B, C, H, W = x.shape
    HW = H * W
    nsel = int(HW * K_RATIO)
    nsp = ((nsel + 7) // 8) * 8
    xf = x.reshape(B, C, HW)

    from jax.experimental.pallas import tpu as _pltpu

    outc, pixl, upd = pl.pallas_call(
        functools.partial(_mega_body, nsel, nsp, B),
        grid=(B + 1,),
        in_specs=[
            pl.BlockSpec((1, C, HW), lambda i: (jnp.minimum(i, B - 1), 0, 0)),
            pl.BlockSpec((C, C), lambda i: (0, 0)),
            pl.BlockSpec((1, C), lambda i: (0, 0)),
        ],
        out_specs=[
            pl.BlockSpec((1, C, HW), lambda i: (jnp.minimum(i, B - 1), 0, 0)),
            pl.BlockSpec((1, 1, nsp), lambda i: (jnp.minimum(i, B - 1), 0, 0)),
            pl.BlockSpec((B * nsp, C), lambda i: (0, 0)),
        ],
        out_shape=[
            jax.ShapeDtypeStruct((B, C, HW), jnp.float32),
            jax.ShapeDtypeStruct((B, 1, nsp), jnp.int32),
            jax.ShapeDtypeStruct((B * nsp, C), jnp.float32),
        ],
        scratch_shapes=[_pltpu.VMEM((B * nsp, C), jnp.float32)],
    )(xf, W_gcn, b_gcn.reshape(1, C))

    out = _sc_scatter(outc.reshape(B * C * HW), pixl.reshape(B * nsp),
                      upd, B, C, HW, nsp, nsel)
    return out.reshape(B, C, H, W)

# --- scband reference (transcript-rebuilt; emitter-appended) ---
"""Pipeline reference for scband-ana-c2f-pro-31928786878549 (READ-ONLY COPY).

The authoritative reference and input builder live on the scoring server;
editing this copy changes nothing except your own understanding.
"""

import jax, jax.numpy as jnp
import numpy as np

K_RATIO = 0.04
SIM_THRESHOLD = 0.6


def setup_inputs(seed: int = 0) -> dict:
    key = jax.random.key(seed)
    k1, k2 = jax.random.split(key, 2)
    x = jax.random.normal(k1, (8, 192, 64, 64), dtype=jnp.float32)
    # GraphUpdate (GCN-style) learned parameters: linear transform applied to
    # gathered top-k pixel features before weighted-adjacency aggregation.
    W_gcn = jax.random.normal(k2, (192, 192), dtype=jnp.float32) * (1.0 / np.sqrt(192.0))
    b_gcn = jnp.zeros((192,), dtype=jnp.float32)
    return {"x": x, "W_gcn": W_gcn, "b_gcn": b_gcn}


def reference(x, W_gcn, b_gcn):
    # Faithful translation of update_features_with_weight_by_gcn with a
    # single-layer GCN graph_update_module and inverse-similarity edge weights
    # (use_inverse=True, use_weights=True), as used inside AnaC2f_pro.
    B, C, H, W = x.shape
    HW = H * W
    # --- GraphScoreCompute: channel-mean absolute importance score ---
    score = jnp.mean(jnp.abs(x), axis=1)  # [B, H, W]
    num_select = int(HW * K_RATIO)  # 163
    flat_score = score.reshape(B, HW)
    _, top_idx = jax.lax.top_k(flat_score, num_select)  # [B, num_select]
    # --- gather top-k pixel features ---
    xf = x.reshape(B, C, HW)
    idx_exp = jnp.broadcast_to(top_idx[:, None, :], (B, C, num_select))
    top_feats = jnp.take_along_axis(xf, idx_exp, axis=2)  # [B, C, num_select]
    feats = jnp.transpose(top_feats, (0, 2, 1)).reshape(B * num_select, C)  # [N, C]
    # --- build_edge_index_from_features_with_inverse_weights ---
    nrm = feats / (jnp.linalg.norm(feats, axis=1, keepdims=True) + 1e-12)
    sim = nrm @ nrm.T  # [N, N]
    inv_sim = (1.0 - sim) / 2.0
    mask = inv_sim < (1.0 - SIM_THRESHOLD) / 2.0  # similarity_inv=False branch
    # weighted adjacency; dense A @ h is mathematically identical to
    # scatter-add of edge-weighted messages over edge_index = nonzero(mask)
    A = inv_sim * mask.astype(feats.dtype)
    # --- GraphUpdate (GCN layer): transform then aggregate, ReLU ---
    h = feats @ W_gcn + b_gcn
    updated = A @ h  # message passing with inverse-similarity edge weights
    updated = jax.nn.relu(updated)
    # --- scatter updated features back into the feature map (overwrite) ---
    updated = jnp.transpose(updated.reshape(B, num_select, C), (0, 2, 1))  # [B, C, ns]
    b_idx = jnp.arange(B)[:, None, None]
    c_idx = jnp.arange(C)[None, :, None]
    new_flat = xf.at[b_idx, c_idx, top_idx[:, None, :]].set(updated)
    return new_flat.reshape(B, C, H, W)

if __name__ == "__main__":
    import jax
    _d = setup_inputs()
    print(jax.jit(kernel)(*tuple(_d.values())))

</pallas_src>

<mosaic_0001>
#map = affine_map<(d0, d1) -> (0)>
#map1 = affine_map<(d0, d1) -> (0, 0)>
module attributes {stable_mosaic.version = 14 : i64} {
  func.func @new_body(%arg0: i32, %arg1: i32, %arg2: memref<6291456xf32, #tpu.memory_space<hbm>>, %arg3: memref<1344xi32, #tpu.memory_space<hbm>>, %arg4: memref<1344x192xf32, #tpu.memory_space<hbm>>, %arg5: memref<6291456xf32, #tpu.memory_space<hbm>>, %arg6: memref<64xi32, #tpu.memory_space<vmem>>, %arg7: memref<48x192xf32, #tpu.memory_space<vmem>>, %arg8: memref<!tpu.dma_semaphore, #tpu.memory_space<semaphore_mem>>, %arg9: memref<!tpu.dma_semaphore, #tpu.memory_space<semaphore_mem>>) attributes {dimension_semantics = [#tpu.dimension_semantics<core_parallel>, #tpu.dimension_semantics<subcore_parallel>], iteration_bounds = array<i64: 2, 16>, scalar_prefetch = 0 : i64, scratch_operands = 4 : i64, tpu.core_type = #tpu.core_type<sc_vector_subcore>, window_params = [{transform_indices = #map}, {transform_indices = #map}, {transform_indices = #map1}, {transform_indices = #map}]} {
    %mul3A = arith.constant 2 : i32
    %mul3A_0 = arith.muli %arg1, %mul3A : i32
    %add3A = arith.addi %mul3A_0, %arg0 : i32
    %lt3A = arith.constant 28 : i32
    %lt3A_1 = arith.cmpi slt, %add3A, %lt3A : i32
    %convert_element_type3A = arith.extui %lt3A_1 : i1 to i32
    %cond3A = arith.constant 0 : i32
    %cond3A_2 = arith.cmpi ne, %convert_element_type3A, %cond3A : i32
    scf.if %cond3A_2 {
      %mul3A_3 = arith.constant 48 : i32
      %mul3A_4 = arith.muli %add3A, %mul3A_3 : i32
      %dma_start3A = arith.constant 0 : i32
      %dma_start3A_5 = tpu.memref_slice %arg6[%dma_start3A] : memref<64xi32, #tpu.memory_space<vmem>> -> memref<48xi32, #tpu.memory_space<vmem>>
      %dma_start3A_6 = tpu.memref_slice %arg3[%mul3A_4] : memref<1344xi32, #tpu.memory_space<hbm>> -> memref<48xi32, #tpu.memory_space<hbm>>
      %dma_start3A_7 = arith.constant 0 : i32
      %dma_start3A_8 = tpu.memref_slice %arg6[%dma_start3A_7] : memref<64xi32, #tpu.memory_space<vmem>> -> memref<48xi32, #tpu.memory_space<vmem>>
      %dma_start3A_9 = tpu.memref_slice %arg3[%mul3A_4] : memref<1344xi32, #tpu.memory_space<hbm>> -> memref<48xi32, #tpu.memory_space<hbm>>
      tpu.enqueue_dma source(%dma_start3A_9 : memref<48xi32, #tpu.memory_space<hbm>>) target(%dma_start3A_8 : memref<48xi32, #tpu.memory_space<vmem>>) target_semaphore(%arg8 : memref<!tpu.dma_semaphore, #tpu.memory_space<semaphore_mem>>)
      %dma_start3A_10 = arith.constant 0 : i32
      %dma_start3A_11 = tpu.memref_slice %arg4[%mul3A_4, %dma_start3A_10] : memref<1344x192xf32, #tpu.memory_space<hbm>> -> memref<48x192xf32, #tpu.memory_space<hbm>>
      %dma_start3A_12 = arith.constant 0 : i32
      %dma_start3A_13 = tpu.memref_slice %arg4[%mul3A_4, %dma_start3A_12] : memref<1344x192xf32, #tpu.memory_space<hbm>> -> memref<48x192xf32, #tpu.memory_space<hbm>>
      tpu.enqueue_dma source(%dma_start3A_13 : memref<48x192xf32, #tpu.memory_space<hbm>>) target(%arg7 : memref<48x192xf32, #tpu.memory_space<vmem>>) target_semaphore(%arg8 : memref<!tpu.dma_semaphore, #tpu.memory_space<semaphore_mem>>)
      %dma_wait3A = arith.constant 0 : i32
      %dma_wait3A_14 = tpu.memref_slice %arg6[%dma_wait3A] : memref<64xi32, #tpu.memory_space<vmem>> -> memref<48xi32, #tpu.memory_space<vmem>>
      %dma_wait3A_15 = arith.constant 0 : i32
      %dma_wait3A_16 = tpu.memref_slice %arg3[%dma_wait3A_15] : memref<1344xi32, #tpu.memory_space<hbm>> -> memref<48xi32, #tpu.memory_space<hbm>>
      %dma_wait3A_17 = arith.constant 0 : i32
      %dma_wait3A_18 = tpu.memref_slice %arg6[%dma_wait3A_17] : memref<64xi32, #tpu.memory_space<vmem>> -> memref<48xi32, #tpu.memory_space<vmem>>
      %dma_wait3A_19 = arith.constant 0 : i32
      %dma_wait3A_20 = tpu.memref_slice %arg3[%dma_wait3A_19] : memref<1344xi32, #tpu.memory_space<hbm>> -> memref<48xi32, #tpu.memory_space<hbm>>
      tpu.wait_dma2 semaphore(%arg8 : memref<!tpu.dma_semaphore, #tpu.memory_space<semaphore_mem>>) src(%dma_wait3A_20 : memref<48xi32, #tpu.memory_space<hbm>>) dst(%dma_wait3A_18 : memref<48xi32, #tpu.memory_space<vmem>>)
      %dma_wait3A_21 = arith.constant 0 : i32
      %dma_wait3A_22 = arith.constant 0 : i32
      %dma_wait3A_23 = tpu.memref_slice %arg4[%dma_wait3A_21, %dma_wait3A_22] : memref<1344x192xf32, #tpu.memory_space<hbm>> -> memref<48x192xf32, #tpu.memory_space<hbm>>
      %dma_wait3A_24 = arith.constant 0 : i32
      %dma_wait3A_25 = arith.constant 0 : i32
      %dma_wait3A_26 = tpu.memref_slice %arg4[%dma_wait3A_24, %dma_wait3A_25] : memref<1344x192xf32, #tpu.memory_space<hbm>> -> memref<48x192xf32, #tpu.memory_space<hbm>>
      tpu.wait_dma2 semaphore(%arg8 : memref<!tpu.dma_semaphore, #tpu.memory_space<semaphore_mem>>) src(%dma_wait3A_26 : memref<48x192xf32, #tpu.memory_space<hbm>>) dst(%arg7 : memref<48x192xf32, #tpu.memory_space<vmem>>)
      %iota3A = tpu.iota {dimensions = array<i32: 0>} : vector<16xi32>
      %scan3A = arith.constant 0 : i32
      %scan3A_27 = arith.constant 0 : i32
      %scan3A_28 = arith.constant 48 : i32
      %scan3A_29 = arith.addi %scan3A_27, %scan3A_28 : i32
      %scan3A_30 = arith.constant 1 : i32
      %scan3A_31 = scf.for %scan3A_46 = %scan3A_27 to %scan3A_29 step %scan3A_30 iter_args(%scan3A_47 = %scan3A) -> (i32)  : i32 {
        %add3A_48 = arith.addi %mul3A_4, %scan3A_46 : i32
        %rem3A = arith.constant 168 : i32
        %rem3A_49 = arith.remsi %add3A_48, %rem3A : i32
        %lt3A_50 = arith.constant 163 : i32
        %lt3A_51 = arith.cmpi slt, %rem3A_49, %lt3A_50 : i32
        %convert_element_type3A_52 = arith.extui %lt3A_51 : i1 to i32
        %cond3A_53 = arith.constant 0 : i32
        %cond3A_54 = arith.cmpi ne, %convert_element_type3A_52, %cond3A_53 : i32
        scf.if %cond3A_54 {
          %get3A = arith.index_cast %scan3A_46 : i32 to index
          %get3A_57 = tpu.vector_load %arg6[%get3A] {strides = array<i32>} : memref<64xi32, #tpu.memory_space<vmem>>, vector<16xi32>,
          %get3A_58 = vector.shape_cast %get3A_57 : vector<16xi32> to vector<16xi32>
          %slice3A = vector.extract_strided_slice %get3A_58 {offsets = [0], sizes = [1], strides = [1]} : vector<16xi32> to vector<1xi32>
          %squeeze3A = vector.extract %slice3A[0] : i32 from vector<1xi32>
          %add3A_59 = arith.addi %mul3A_4, %scan3A_46 : i32
          %jit3A_60 = arith.constant 168 : i32
          %div3A = arith.divsi %add3A_59, %jit3A_60 : i32
          %sign3A = arith.constant 0 : i32
          %sign3A_61 = arith.cmpi sgt, %add3A_59, %sign3A : i32
          %sign3A_62 = arith.extui %sign3A_61 : i1 to i32
          %sign3A_63 = arith.constant 0 : i32
          %sign3A_64 = arith.cmpi slt, %add3A_59, %sign3A_63 : i32
          %sign3A_65 = arith.extui %sign3A_64 : i1 to i32
          %sign3A_66 = arith.subi %sign3A_62, %sign3A_65 : i32
          %sign3A_67 = arith.constant 0 : i32
          %sign3A_68 = arith.cmpi sgt, %jit3A_60, %sign3A_67 : i32
          %sign3A_69 = arith.extui %sign3A_68 : i1 to i32
          %sign3A_70 = arith.constant 0 : i32
          %sign3A_71 = arith.cmpi slt, %jit3A_60, %sign3A_70 : i32
          %sign3A_72 = arith.extui %sign3A_71 : i1 to i32
          %sign3A_73 = arith.subi %sign3A_69, %sign3A_72 : i32
          %ne3A = arith.cmpi ne, %sign3A_66, %sign3A_73 : i32
          %rem3A_74 = arith.remsi %add3A_59, %jit3A_60 : i32
          %ne3A_75 = arith.constant 0 : i32
          %ne3A_76 = arith.cmpi ne, %rem3A_74, %ne3A_75 : i32
          %and3A = arith.andi %ne3A, %ne3A_76 : i1
          %sub3A = arith.constant 1 : i32
          %sub3A_77 = arith.subi %div3A, %sub3A : i32
          %select_n3A_78 = arith.select %and3A, %sub3A_77, %div3A : i32
          %mul3A_79 = arith.constant 786432 : i32
          %mul3A_80 = arith.muli %select_n3A_78, %mul3A_79 : i32
          %add3A_81 = arith.addi %mul3A_80, %squeeze3A : i32
          %broadcast_in_dim3A = arith.constant 0 : i32
          %broadcast_in_dim3A_82 = vector.broadcast %broadcast_in_dim3A : i32 to vector<16xi32>
          %add3A_83 = arith.addi %iota3A, %broadcast_in_dim3A_82 : vector<16xi32>
          %mul3A_84 = arith.constant 4096 : i32
          %mul3A_85 = vector.broadcast %mul3A_84 : i32 to vector<16xi32>
          %mul3A_86 = arith.muli %add3A_83, %mul3A_85 : vector<16xi32>
          %broadcast_in_dim3A_87 = vector.broadcast %add3A_81 : i32 to vector<16xi32>
          %add3A_88 = arith.addi %mul3A_86, %broadcast_in_dim3A_87 : vector<16xi32>
          %dma_start3A_89 = arith.constant 0 : i32
          %dma_start3A_90 = tpu.memref_slice %arg7[%scan3A_46, %dma_start3A_89] : memref<48x192xf32, #tpu.memory_space<vmem>> -> memref<1x16xf32, #tpu.memory_space<vmem>>
          %dma_start3A_91 = tpu.memref_squeeze %dma_start3A_90 : memref<1x16xf32, #tpu.memory_space<vmem>> -> memref<16xf32, #tpu.memory_space<vmem>>
          %dma_start3A_92 = arith.constant 0 : i32
          %dma_start3A_93 = tpu.memref_slice %arg2[%dma_start3A_92] : memref<6291456xf32, #tpu.memory_space<hbm>> -> memref<6291456xf32, #tpu.memory_space<hbm>>
          tpu.enqueue_indirect_dma source(%dma_start3A_91 : memref<16xf32, #tpu.memory_space<vmem>>) target(%dma_start3A_93 : memref<6291456xf32, #tpu.memory_space<hbm>>) offsets(%add3A_88 : vector<16xi32>) semaphore(%arg9 : memref<!tpu.dma_semaphore, #tpu.memory_space<semaphore_mem>>)
          %broadcast_in_dim3A_94 = arith.constant 16 : i32
          %broadcast_in_dim3A_95 = vector.broadcast %broadcast_in_dim3A_94 : i32 to vector<16xi32>
          %add3A_96 = arith.addi %iota3A, %broadcast_in_dim3A_95 : vector<16xi32>
          %mul3A_97 = arith.constant 4096 : i32
          %mul3A_98 = vector.broadcast %mul3A_97 : i32 to vector<16xi32>
          %mul3A_99 = arith.muli %add3A_96, %mul3A_98 : vector<16xi32>
          %broadcast_in_dim3A_100 = vector.broadcast %add3A_81 : i32 to vector<16xi32>
          %add3A_101 = arith.addi %mul3A_99, %broadcast_in_dim3A_100 : vector<16xi32>
          %dma_start3A_102 = arith.constant 16 : i32
          %dma_start3A_103 = tpu.memref_slice %arg7[%scan3A_46, %dma_start3A_102] : memref<48x192xf32, #tpu.memory_space<vmem>> -> memref<1x16xf32, #tpu.memory_space<vmem>>
          %dma_start3A_104 = tpu.memref_squeeze %dma_start3A_103 : memref<1x16xf32, #tpu.memory_space<vmem>> -> memref<16xf32, #tpu.memory_space<vmem>>
          %dma_start3A_105 = arith.constant 0 : i32
          %dma_start3A_106 = tpu.memref_slice %arg2[%dma_start3A_105] : memref<6291456xf32, #tpu.memory_space<hbm>> -> memref<6291456xf32, #tpu.memory_space<hbm>>
          tpu.enqueue_indirect_dma source(%dma_start3A_104 : memref<16xf32, #tpu.memory_space<vmem>>) target(%dma_start3A_106 : memref<6291456xf32, #tpu.memory_space<hbm>>) offsets(%add3A_101 : vector<16xi32>) semaphore(%arg9 : memref<!tpu.dma_semaphore, #tpu.memory_space<semaphore_mem>>)
          %broadcast_in_dim3A_107 = arith.constant 32 : i32
          %broadcast_in_dim3A_108 = vector.broadcast %broadcast_in_dim3A_107 : i32 to vector<16xi32>
          %add3A_109 = arith.addi %iota3A, %broadcast_in_dim3A_108 : vector<16xi32>
          %mul3A_110 = arith.constant 4096 : i32
          %mul3A_111 = vector.broadcast %mul3A_110 : i32 to vector<16xi32>
          %mul3A_112 = arith.muli %add3A_109, %mul3A_111 : vector<16xi32>
          %broadcast_in_dim3A_113 = vector.broadcast %add3A_81 : i32 to vector<16xi32>
          %add3A_114 = arith.addi %mul3A_112, %broadcast_in_dim3A_113 : vector<16xi32>
          %dma_start3A_115 = arith.constant 32 : i32
          %dma_start3A_116 = tpu.memref_slice %arg7[%scan3A_46, %dma_start3A_115] : memref<48x192xf32, #tpu.memory_space<vmem>> -> memref<1x16xf32, #tpu.memory_space<vmem>>
          %dma_start3A_117 = tpu.memref_squeeze %dma_start3A_116 : memref<1x16xf32, #tpu.memory_space<vmem>> -> memref<16xf32, #tpu.memory_space<vmem>>
          %dma_start3A_118 = arith.constant 0 : i32
          %dma_start3A_119 = tpu.memref_slice %arg2[%dma_start3A_118] : memref<6291456xf32, #tpu.memory_space<hbm>> -> memref<6291456xf32, #tpu.memory_space<hbm>>
          tpu.enqueue_indirect_dma source(%dma_start3A_117 : memref<16xf32, #tpu.memory_space<vmem>>) target(%dma_start3A_119 : memref<6291456xf32, #tpu.memory_space<hbm>>) offsets(%add3A_114 : vector<16xi32>) semaphore(%arg9 : memref<!tpu.dma_semaphore, #tpu.memory_space<semaphore_mem>>)
          %broadcast_in_dim3A_120 = arith.constant 48 : i32
          %broadcast_in_dim3A_121 = vector.broadcast %broadcast_in_dim3A_120 : i32 to vector<16xi32>
          %add3A_122 = arith.addi %iota3A, %broadcast_in_dim3A_121 : vector<16xi32>
          %mul3A_123 = arith.constant 4096 : i32
          %mul3A_124 = vector.broadcast %mul3A_123 : i32 to vector<16xi32>
          %mul3A_125 = arith.muli %add3A_122, %mul3A_124 : vector<16xi32>
          %broadcast_in_dim3A_126 = vector.broadcast %add3A_81 : i32 to vector<16xi32>
          %add3A_127 = arith.addi %mul3A_125, %broadcast_in_dim3A_126 : vector<16xi32>
          %dma_start3A_128 = arith.constant 48 : i32
          %dma_start3A_129 = tpu.memref_slice %arg7[%scan3A_46, %dma_start3A_128] : memref<48x192xf32, #tpu.memory_space<vmem>> -> memref<1x16xf32, #tpu.memory_space<vmem>>
          %dma_start3A_130 = tpu.memref_squeeze %dma_start3A_129 : memref<1x16xf32, #tpu.memory_space<vmem>> -> memref<16xf32, #tpu.memory_space<vmem>>
          %dma_start3A_131 = arith.constant 0 : i32
          %dma_start3A_132 = tpu.memref_slice %arg2[%dma_start3A_131] : memref<6291456xf32, #tpu.memory_space<hbm>> -> memref<6291456xf32, #tpu.memory_space<hbm>>
          tpu.enqueue_indirect_dma source(%dma_start3A_130 : memref<16xf32, #tpu.memory_space<vmem>>) target(%dma_start3A_132 : memref<6291456xf32, #tpu.memory_space<hbm>>) offsets(%add3A_127 : vector<16xi32>) semaphore(%arg9 : memref<!tpu.dma_semaphore, #tpu.memory_space<semaphore_mem>>)
          %broadcast_in_dim3A_133 = arith.constant 64 : i32
          %broadcast_in_dim3A_134 = vector.broadcast %broadcast_in_dim3A_133 : i32 to vector<16xi32>
          %add3A_135 = arith.addi %iota3A, %broadcast_in_dim3A_134 : vector<16xi32>
          %mul3A_136 = arith.constant 4096 : i32
          %mul3A_137 = vector.broadcast %mul3A_136 : i32 to vector<16xi32>
          %mul3A_138 = arith.muli %add3A_135, %mul3A_137 : vector<16xi32>
          %broadcast_in_dim3A_139 = vector.broadcast %add3A_81 : i32 to vector<16xi32>
          %add3A_140 = arith.addi %mul3A_138, %broadcast_in_dim3A_139 : vector<16xi32>
          %dma_start3A_141 = arith.constant 64 : i32
          %dma_start3A_142 = tpu.memref_slice %arg7[%scan3A_46, %dma_start3A_141] : memref<48x192xf32, #tpu.memory_space<vmem>> -> memref<1x16xf32, #tpu.memory_space<vmem>>
          %dma_start3A_143 = tpu.memref_squeeze %dma_start3A_142 : memref<1x16xf32, #tpu.memory_space<vmem>> -> memref<16xf32, #tpu.memory_space<vmem>>
          %dma_start3A_144 = arith.constant 0 : i32
          %dma_start3A_145 = tpu.memref_slice %arg2[%dma_start3A_144] : memref<6291456xf32, #tpu.memory_space<hbm>> -> memref<6291456xf32, #tpu.memory_space<hbm>>
          tpu.enqueue_indirect_dma source(%dma_start3A_143 : memref<16xf32, #tpu.memory_space<vmem>>) target(%dma_start3A_145 : memref<6291456xf32, #tpu.memory_space<hbm>>) offsets(%add3A_140 : vector<16xi32>) semaphore(%arg9 : memref<!tpu.dma_semaphore, #tpu.memory_space<semaphore_mem>>)
          %broadcast_in_dim3A_146 = arith.constant 80 : i32
          %broadcast_in_dim3A_147 = vector.broadcast %broadcast_in_dim3A_146 : i32 to vector<16xi32>
          %add3A_148 = arith.addi %iota3A, %broadcast_in_dim3A_147 : vector<16xi32>
          %mul3A_149 = arith.constant 4096 : i32
          %mul3A_150 = vector.broadcast %mul3A_149 : i32 to vector<16xi32>
          %mul3A_151 = arith.muli %add3A_148, %mul3A_150 : vector<16xi32>
          %broadcast_in_dim3A_152 = vector.broadcast %add3A_81 : i32 to vector<16xi32>
          %add3A_153 = arith.addi %mul3A_151, %broadcast_in_dim3A_152 : vector<16xi32>
          %dma_start3A_154 = arith.constant 80 : i32
          %dma_start3A_155 = tpu.memref_slice %arg7[%scan3A_46, %dma_start3A_154] : memref<48x192xf32, #tpu.memory_space<vmem>> -> memref<1x16xf32, #tpu.memory_space<vmem>>
          %dma_start3A_156 = tpu.memref_squeeze %dma_start3A_155 : memref<1x16xf32, #tpu.memory_space<vmem>> -> memref<16xf32, #tpu.memory_space<vmem>>
          %dma_start3A_157 = arith.constant 0 : i32
          %dma_start3A_158 = tpu.memref_slice %arg2[%dma_start3A_157] : memref<6291456xf32, #tpu.memory_space<hbm>> -> memref<6291456xf32, #tpu.memory_space<hbm>>
          tpu.enqueue_indirect_dma source(%dma_start3A_156 : memref<16xf32, #tpu.memory_space<vmem>>) target(%dma_start3A_158 : memref<6291456xf32, #tpu.memory_space<hbm>>) offsets(%add3A_153 : vector<16xi32>) semaphore(%arg9 : memref<!tpu.dma_semaphore, #tpu.memory_space<semaphore_mem>>)
          %broadcast_in_dim3A_159 = arith.constant 96 : i32
          %broadcast_in_dim3A_160 = vector.broadcast %broadcast_in_dim3A_159 : i32 to vector<16xi32>
          %add3A_161 = arith.addi %iota3A, %broadcast_in_dim3A_160 : vector<16xi32>
          %mul3A_162 = arith.constant 4096 : i32
          %mul3A_163 = vector.broadcast %mul3A_162 : i32 to vector<16xi32>
          %mul3A_164 = arith.muli %add3A_161, %mul3A_163 : vector<16xi32>
          %broadcast_in_dim3A_165 = vector.broadcast %add3A_81 : i32 to vector<16xi32>
          %add3A_166 = arith.addi %mul3A_164, %broadcast_in_dim3A_165 : vector<16xi32>
          %dma_start3A_167 = arith.constant 96 : i32
          %dma_start3A_168 = tpu.memref_slice %arg7[%scan3A_46, %dma_start3A_167] : memref<48x192xf32, #tpu.memory_space<vmem>> -> memref<1x16xf32, #tpu.memory_space<vmem>>
          %dma_start3A_169 = tpu.memref_squeeze %dma_start3A_168 : memref<1x16xf32, #tpu.memory_space<vmem>> -> memref<16xf32, #tpu.memory_space<vmem>>
          %dma_start3A_170 = arith.constant 0 : i32
          %dma_start3A_171 = tpu.memref_slice %arg2[%dma_start3A_170] : memref<6291456xf32, #tpu.memory_space<hbm>> -> memref<6291456xf32, #tpu.memory_space<hbm>>
          tpu.enqueue_indirect_dma source(%dma_start3A_169 : memref<16xf32, #tpu.memory_space<vmem>>) target(%dma_start3A_171 : memref<6291456xf32, #tpu.memory_space<hbm>>) offsets(%add3A_166 : vector<16xi32>) semaphore(%arg9 : memref<!tpu.dma_semaphore, #tpu.memory_space<semaphore_mem>>)
          %broadcast_in_dim3A_172 = arith.constant 112 : i32
          %broadcast_in_dim3A_173 = vector.broadcast %broadcast_in_dim3A_172 : i32 to vector<16xi32>
          %add3A_174 = arith.addi %iota3A, %broadcast_in_dim3A_173 : vector<16xi32>
          %mul3A_175 = arith.constant 4096 : i32
          %mul3A_176 = vector.broadcast %mul3A_175 : i32 to vector<16xi32>
          %mul3A_177 = arith.muli %add3A_174, %mul3A_176 : vector<16xi32>
          %broadcast_in_dim3A_178 = vector.broadcast %add3A_81 : i32 to vector<16xi32>
          %add3A_179 = arith.addi %mul3A_177, %broadcast_in_dim3A_178 : vector<16xi32>
          %dma_start3A_180 = arith.constant 112 : i32
          %dma_start3A_181 = tpu.memref_slice %arg7[%scan3A_46, %dma_start3A_180] : memref<48x192xf32, #tpu.memory_space<vmem>> -> memref<1x16xf32, #tpu.memory_space<vmem>>
          %dma_start3A_182 = tpu.memref_squeeze %dma_start3A_181 : memref<1x16xf32, #tpu.memory_space<vmem>> -> memref<16xf32, #tpu.memory_space<vmem>>
          %dma_start3A_183 = arith.constant 0 : i32
          %dma_start3A_184 = tpu.memref_slice %arg2[%dma_start3A_183] : memref<6291456xf32, #tpu.memory_space<hbm>> -> memref<6291456xf32, #tpu.memory_space<hbm>>
          tpu.enqueue_indirect_dma source(%dma_start3A_182 : memref<16xf32, #tpu.memory_space<vmem>>) target(%dma_start3A_184 : memref<6291456xf32, #tpu.memory_space<hbm>>) offsets(%add3A_179 : vector<16xi32>) semaphore(%arg9 : memref<!tpu.dma_semaphore, #tpu.memory_space<semaphore_mem>>)
          %broadcast_in_dim3A_185 = arith.constant 128 : i32
          %broadcast_in_dim3A_186 = vector.broadcast %broadcast_in_dim3A_185 : i32 to vector<16xi32>
          %add3A_187 = arith.addi %iota3A, %broadcast_in_dim3A_186 : vector<16xi32>
          %mul3A_188 = arith.constant 4096 : i32
          %mul3A_189 = vector.broadcast %mul3A_188 : i32 to vector<16xi32>
          %mul3A_190 = arith.muli %add3A_187, %mul3A_189 : vector<16xi32>
          %broadcast_in_dim3A_191 = vector.broadcast %add3A_81 : i32 to vector<16xi32>
          %add3A_192 = arith.addi %mul3A_190, %broadcast_in_dim3A_191 : vector<16xi32>
          %dma_start3A_193 = arith.constant 128 : i32
          %dma_start3A_194 = tpu.memref_slice %arg7[%scan3A_46, %dma_start3A_193] : memref<48x192xf32, #tpu.memory_space<vmem>> -> memref<1x16xf32, #tpu.memory_space<vmem>>
          %dma_start3A_195 = tpu.memref_squeeze %dma_start3A_194 : memref<1x16xf32, #tpu.memory_space<vmem>> -> memref<16xf32, #tpu.memory_space<vmem>>
          %dma_start3A_196 = arith.constant 0 : i32
          %dma_start3A_197 = tpu.memref_slice %arg2[%dma_start3A_196] : memref<6291456xf32, #tpu.memory_space<hbm>> -> memref<6291456xf32, #tpu.memory_space<hbm>>
          tpu.enqueue_indirect_dma source(%dma_start3A_195 : memref<16xf32, #tpu.memory_space<vmem>>) target(%dma_start3A_197 : memref<6291456xf32, #tpu.memory_space<hbm>>) offsets(%add3A_192 : vector<16xi32>) semaphore(%arg9 : memref<!tpu.dma_semaphore, #tpu.memory_space<semaphore_mem>>)
          %broadcast_in_dim3A_198 = arith.constant 144 : i32
          %broadcast_in_dim3A_199 = vector.broadcast %broadcast_in_dim3A_198 : i32 to vector<16xi32>
          %add3A_200 = arith.addi %iota3A, %broadcast_in_dim3A_199 : vector<16xi32>
          %mul3A_201 = arith.constant 4096 : i32
          %mul3A_202 = vector.broadcast %mul3A_201 : i32 to vector<16xi32>
          %mul3A_203 = arith.muli %add3A_200, %mul3A_202 : vector<16xi32>
          %broadcast_in_dim3A_204 = vector.broadcast %add3A_81 : i32 to vector<16xi32>
          %add3A_205 = arith.addi %mul3A_203, %broadcast_in_dim3A_204 : vector<16xi32>
          %dma_start3A_206 = arith.constant 144 : i32
          %dma_start3A_207 = tpu.memref_slice %arg7[%scan3A_46, %dma_start3A_206] : memref<48x192xf32, #tpu.memory_space<vmem>> -> memref<1x16xf32, #tpu.memory_space<vmem>>
          %dma_start3A_208 = tpu.memref_squeeze %dma_start3A_207 : memref<1x16xf32, #tpu.memory_space<vmem>> -> memref<16xf32, #tpu.memory_space<vmem>>
          %dma_start3A_209 = arith.constant 0 : i32
          %dma_start3A_210 = tpu.memref_slice %arg2[%dma_start3A_209] : memref<6291456xf32, #tpu.memory_space<hbm>> -> memref<6291456xf32, #tpu.memory_space<hbm>>
          tpu.enqueue_indirect_dma source(%dma_start3A_208 : memref<16xf32, #tpu.memory_space<vmem>>) target(%dma_start3A_210 : memref<6291456xf32, #tpu.memory_space<hbm>>) offsets(%add3A_205 : vector<16xi32>) semaphore(%arg9 : memref<!tpu.dma_semaphore, #tpu.memory_space<semaphore_mem>>)
          %broadcast_in_dim3A_211 = arith.constant 160 : i32
          %broadcast_in_dim3A_212 = vector.broadcast %broadcast_in_dim3A_211 : i32 to vector<16xi32>
          %add3A_213 = arith.addi %iota3A, %broadcast_in_dim3A_212 : vector<16xi32>
          %mul3A_214 = arith.constant 4096 : i32
          %mul3A_215 = vector.broadcast %mul3A_214 : i32 to vector<16xi32>
          %mul3A_216 = arith.muli %add3A_213, %mul3A_215 : vector<16xi32>
          %broadcast_in_dim3A_217 = vector.broadcast %add3A_81 : i32 to vector<16xi32>
          %add3A_218 = arith.addi %mul3A_216, %broadcast_in_dim3A_217 : vector<16xi32>
          %dma_start3A_219 = arith.constant 160 : i32
          %dma_start3A_220 = tpu.memref_slice %arg7[%scan3A_46, %dma_start3A_219] : memref<48x192xf32, #tpu.memory_space<vmem>> -> memref<1x16xf32, #tpu.memory_space<vmem>>
          %dma_start3A_221 = tpu.memref_squeeze %dma_start3A_220 : memref<1x16xf32, #tpu.memory_space<vmem>> -> memref<16xf32, #tpu.memory_space<vmem>>
          %dma_start3A_222 = arith.constant 0 : i32
          %dma_start3A_223 = tpu.memref_slice %arg2[%dma_start3A_222] : memref<6291456xf32, #tpu.memory_space<hbm>> -> memref<6291456xf32, #tpu.memory_space<hbm>>
          tpu.enqueue_indirect_dma source(%dma_start3A_221 : memref<16xf32, #tpu.memory_space<vmem>>) target(%dma_start3A_223 : memref<6291456xf32, #tpu.memory_space<hbm>>) offsets(%add3A_218 : vector<16xi32>) semaphore(%arg9 : memref<!tpu.dma_semaphore, #tpu.memory_space<semaphore_mem>>)
          %broadcast_in_dim3A_224 = arith.constant 176 : i32
          %broadcast_in_dim3A_225 = vector.broadcast %broadcast_in_dim3A_224 : i32 to vector<16xi32>
          %add3A_226 = arith.addi %iota3A, %broadcast_in_dim3A_225 : vector<16xi32>
          %mul3A_227 = arith.constant 4096 : i32
          %mul3A_228 = vector.broadcast %mul3A_227 : i32 to vector<16xi32>
          %mul3A_229 = arith.muli %add3A_226, %mul3A_228 : vector<16xi32>
          %broadcast_in_dim3A_230 = vector.broadcast %add3A_81 : i32 to vector<16xi32>
          %add3A_231 = arith.addi %mul3A_229, %broadcast_in_dim3A_230 : vector<16xi32>
          %dma_start3A_232 = arith.constant 176 : i32
          %dma_start3A_233 = tpu.memref_slice %arg7[%scan3A_46, %dma_start3A_232] : memref<48x192xf32, #tpu.memory_space<vmem>> -> memref<1x16xf32, #tpu.memory_space<vmem>>
          %dma_start3A_234 = tpu.memref_squeeze %dma_start3A_233 : memref<1x16xf32, #tpu.memory_space<vmem>> -> memref<16xf32, #tpu.memory_space<vmem>>
          %dma_start3A_235 = arith.constant 0 : i32
          %dma_start3A_236 = tpu.memref_slice %arg2[%dma_start3A_235] : memref<6291456xf32, #tpu.memory_space<hbm>> -> memref<6291456xf32, #tpu.memory_space<hbm>>
          tpu.enqueue_indirect_dma source(%dma_start3A_234 : memref<16xf32, #tpu.memory_space<vmem>>) target(%dma_start3A_236 : memref<6291456xf32, #tpu.memory_space<hbm>>) offsets(%add3A_231 : vector<16xi32>) semaphore(%arg9 : memref<!tpu.dma_semaphore, #tpu.memory_space<semaphore_mem>>)
        } else {
        }
        %jit3A = arith.constant 1 : i32
        %jit3A_55 = arith.constant 0 : i32
        %select_n3A = arith.select %lt3A_51, %jit3A, %jit3A_55 : i32
        %add3A_56 = arith.addi %scan3A_47, %select_n3A : i32
        scf.yield %add3A_56 : i32
      }
      %scan3A_32 = arith.constant 48 : i32
      %mul3A_33 = arith.constant 12 : i32
      %mul3A_34 = arith.muli %scan3A_31, %mul3A_33 : i32
      %while3A = arith.constant 0 : i32
      %while3A_35 = arith.constant 0 : i32
      %while3A_36 = arith.subi %mul3A_34, %while3A : i32
      %while3A_37 = arith.addi %while3A, %while3A_36 : i32
      %while3A_38 = arith.constant 1 : i32
      %while3A_39 = arith.divsi %while3A_36, %while3A_38 : i32
      %while3A_40 = arith.muli %while3A_39, %while3A_38 : i32
      %while3A_41 = arith.addi %while3A, %while3A_40 : i32
      %while3A_42 = arith.constant 1 : i32
      %while3A_43 = scf.for %while3A_46 = %while3A to %while3A_41 step %while3A_42 iter_args(%while3A_47 = %while3A_35) -> (i32)  : i32 {
        %dma_wait3A_48 = arith.constant 0 : i32
        %dma_wait3A_49 = arith.constant 0 : i32
        %dma_wait3A_50 = tpu.memref_slice %arg6[%dma_wait3A_49] : memref<64xi32, #tpu.memory_space<vmem>> -> memref<16xi32, #tpu.memory_space<vmem>>
        %dma_wait3A_51 = arith.constant 0 : i32
        %dma_wait3A_52 = tpu.memref_slice %arg4[%dma_wait3A_48, %dma_wait3A_51] : memref<1344x192xf32, #tpu.memory_space<hbm>> -> memref<1x16xf32, #tpu.memory_space<hbm>>
        %dma_wait3A_53 = tpu.memref_squeeze %dma_wait3A_52 : memref<1x16xf32, #tpu.memory_space<hbm>> -> memref<16xf32, #tpu.memory_space<hbm>>
        %dma_wait3A_54 = arith.constant 0 : i32
        %dma_wait3A_55 = tpu.memref_slice %arg6[%dma_wait3A_54] : memref<64xi32, #tpu.memory_space<vmem>> -> memref<16xi32, #tpu.memory_space<vmem>>
        %dma_wait3A_56 = arith.constant 0 : i32
        %dma_wait3A_57 = tpu.memref_slice %arg4[%dma_wait3A_48, %dma_wait3A_56] : memref<1344x192xf32, #tpu.memory_space<hbm>> -> memref<1x16xf32, #tpu.memory_space<hbm>>
        %dma_wait3A_58 = tpu.memref_squeeze %dma_wait3A_57 : memref<1x16xf32, #tpu.memory_space<hbm>> -> memref<16xf32, #tpu.memory_space<hbm>>
        tpu.wait_dma2 semaphore(%arg9 : memref<!tpu.dma_semaphore, #tpu.memory_space<semaphore_mem>>) src(%dma_wait3A_58 : memref<16xf32, #tpu.memory_space<hbm>>) dst(%dma_wait3A_55 : memref<16xi32, #tpu.memory_space<vmem>>)
        %while3A_59 = arith.constant 0 : i32
        scf.yield %while3A_59 : i32
      }
      %while3A_44 = arith.constant 1 : i32
      %while3A_45 = scf.for %while3A_46 = %while3A_41 to %while3A_37 step %while3A_44 iter_args(%while3A_47 = %while3A_43) -> (i32)  : i32 {
        %dma_wait3A_48 = arith.constant 0 : i32
        %dma_wait3A_49 = arith.constant 0 : i32
        %dma_wait3A_50 = tpu.memref_slice %arg6[%dma_wait3A_49] : memref<64xi32, #tpu.memory_space<vmem>> -> memref<16xi32, #tpu.memory_space<vmem>>
        %dma_wait3A_51 = arith.constant 0 : i32
        %dma_wait3A_52 = tpu.memref_slice %arg4[%dma_wait3A_48, %dma_wait3A_51] : memref<1344x192xf32, #tpu.memory_space<hbm>> -> memref<1x16xf32, #tpu.memory_space<hbm>>
        %dma_wait3A_53 = tpu.memref_squeeze %dma_wait3A_52 : memref<1x16xf32, #tpu.memory_space<hbm>> -> memref<16xf32, #tpu.memory_space<hbm>>
        %dma_wait3A_54 = arith.constant 0 : i32
        %dma_wait3A_55 = tpu.memref_slice %arg6[%dma_wait3A_54] : memref<64xi32, #tpu.memory_space<vmem>> -> memref<16xi32, #tpu.memory_space<vmem>>
        %dma_wait3A_56 = arith.constant 0 : i32
        %dma_wait3A_57 = tpu.memref_slice %arg4[%dma_wait3A_48, %dma_wait3A_56] : memref<1344x192xf32, #tpu.memory_space<hbm>> -> memref<1x16xf32, #tpu.memory_space<hbm>>
        %dma_wait3A_58 = tpu.memref_squeeze %dma_wait3A_57 : memref<1x16xf32, #tpu.memory_space<hbm>> -> memref<16xf32, #tpu.memory_space<hbm>>
        tpu.wait_dma2 semaphore(%arg9 : memref<!tpu.dma_semaphore, #tpu.memory_space<semaphore_mem>>) src(%dma_wait3A_58 : memref<16xf32, #tpu.memory_space<hbm>>) dst(%dma_wait3A_55 : memref<16xi32, #tpu.memory_space<vmem>>)
        %while3A_59 = arith.constant 0 : i32
        scf.yield %while3A_59 : i32
      }
    } else {
    }
    return
  }
}

module attributes {stable_mosaic.version = 14 : i64} {
  func.func @_mega_body(%arg0: i32, %arg1: memref<1x192x4096xf32, #tpu.memory_space<vmem>>, %arg2: memref<192x192xf32, #tpu.memory_space<vmem>>, %arg3: memref<1x192xf32, #tpu.memory_space<vmem>>, %arg4: memref<1x192x4096xf32, #tpu.memory_space<vmem>>, %arg5: memref<1x1x168xi32, #tpu.memory_space<vmem>>, %arg6: memref<1344x192xf32, #tpu.memory_space<vmem>>, %arg7: memref<1344x192xf32, #tpu.memory_space<vmem>>) attributes {dimension_semantics = [#tpu.dimension_semantics<arbitrary>], iteration_bounds = array<i64: 9>, scalar_prefetch = 0 : i64, scratch_operands = 1 : i64, tpu.core_type = #tpu.core_type<tc>, window_params = [{transform_indices = @transform_0, window_bounds = array<i64: 1, 192, 4096>}, {pipeline_mode = #tpu.pipeline_mode<synchronous>, transform_indices = @transform_1, window_bounds = array<i64: 192, 192>}, {pipeline_mode = #tpu.pipeline_mode<synchronous>, transform_indices = @transform_2, window_bounds = array<i64: 1, 192>}, {transform_indices = @transform_3, window_bounds = array<i64: 1, 192, 4096>}, {transform_indices = @transform_4, window_bounds = array<i64: 1, 1, 168>}, {pipeline_mode = #tpu.pipeline_mode<synchronous>, transform_indices = @transform_5, window_bounds = array<i64: 1344, 192>}]} {
    %lt3A = arith.constant 8 : i32
    %lt3A_0 = arith.cmpi slt, %arg0, %lt3A : i32
    %convert_element_type3A = arith.extui %lt3A_0 : i1 to i32
    %cond3A = arith.constant 0 : i32
    %cond3A_1 = arith.cmpi ne, %convert_element_type3A, %cond3A : i32
    scf.if %cond3A_1 {
      %get3A = arith.constant 0 : index
      %get3A_6 = arith.constant 0 : index
      %get3A_7 = arith.constant 0 : index
      %get3A_8 = vector.load %arg1[%get3A, %get3A_6, %get3A_7] : memref<1x192x4096xf32, #tpu.memory_space<vmem>>, vector<1x192x4096xf32>
      %get3A_9 = vector.shape_cast %get3A_8 : vector<1x192x4096xf32> to vector<192x4096xf32>
      %swap3A = arith.constant 0 : index
      %swap3A_10 = arith.constant 0 : index
      %swap3A_11 = arith.constant 0 : index
      %swap3A_12 = vector.load %arg4[%swap3A, %swap3A_10, %swap3A_11] : memref<1x192x4096xf32, #tpu.memory_space<vmem>>, vector<1x192x4096xf32>
      %swap3A_13 = vector.shape_cast %swap3A_12 : vector<1x192x4096xf32> to vector<192x4096xf32>
      %swap3A_14 = vector.shape_cast %get3A_9 : vector<192x4096xf32> to vector<1x192x4096xf32>
      tpu.vector_store %arg4[%swap3A, %swap3A_10, %swap3A_11], %swap3A_14 {strides = array<i32>} : memref<1x192x4096xf32, #tpu.memory_space<vmem>>, vector<1x192x4096xf32>,
      %abs3A = math.absf %get3A_9 : vector<192x4096xf32>
      %reduce_sum3A = arith.constant dense<0.000000e+00> : vector<4096xf32>
      %reduce_sum3A_15 = vector.multi_reduction <add>, %abs3A, %reduce_sum3A [0] : vector<192x4096xf32> to vector<4096xf32>
      %broadcast_in_dim3A = vector.shape_cast %reduce_sum3A_15 : vector<4096xf32> to vector<1x4096xf32>
      %div3A = arith.constant 1.920000e+02 : f32
      %div3A_16 = vector.broadcast %div3A : f32 to vector<1x4096xf32>
      %div3A_17 = arith.divf %broadcast_in_dim3A, %div3A_16 : vector<1x4096xf32>
      %bitcast_convert_type3A = tpu.bitcast %div3A_17 : vector<1x4096xf32> -> vector<1x4096xi32>
      %scan3A = arith.constant 1.630000e+02 : f32
      %scan3A_18 = arith.constant 0 : i32
      %scan3A_19 = arith.constant 2139095040 : i32
      %scan3A_20 = arith.constant 0 : i32
      %scan3A_21 = arith.constant 31 : i32
      %scan3A_22 = arith.addi %scan3A_20, %scan3A_21 : i32
      %scan3A_23 = arith.constant 1 : i32
      %scan3A_24:2 = scf.for %scan3A_209 = %scan3A_20 to %scan3A_22 step %scan3A_23 iter_args(%scan3A_210 = %scan3A_18, %scan3A_211 = %scan3A_19) -> (i32, i32)  : i32 {
        %sub3A_212 = arith.subi %scan3A_211, %scan3A_210 : i32
        %add3A_213 = arith.constant 1 : i32
        %add3A_214 = arith.addi %sub3A_212, %add3A_213 : i32
        %shift_right_arithmetic3A = arith.constant 1 : i32
        %shift_right_arithmetic3A_215 = arith.shrsi %add3A_214, %shift_right_arithmetic3A : i32
        %add3A_216 = arith.addi %scan3A_210, %shift_right_arithmetic3A_215 : i32
        %ge3A = vector.broadcast %add3A_216 : i32 to vector<1x4096xi32>
        %ge3A_217 = arith.cmpi sge, %bitcast_convert_type3A, %ge3A : vector<1x4096xi32>
        %convert_element_type3A_218 = arith.extui %ge3A_217 : vector<1x4096xi1> to vector<1x4096xi32>
        %convert_element_type3A_219 = arith.sitofp %convert_element_type3A_218 : vector<1x4096xi32> to vector<1x4096xf32>
        %reduce_sum3A_220 = vector.shape_cast %convert_element_type3A_219 : vector<1x4096xf32> to vector<1x1x4096xf32>
        %reduce_sum3A_221 = arith.constant dense<0.000000e+00> : vector<1xf32>
        %reduce_sum3A_222 = vector.multi_reduction <add>, %reduce_sum3A_220, %reduce_sum3A_221 [1, 2] : vector<1x1x4096xf32> to vector<1xf32>
        %reduce_sum3A_223 = vector.shape_cast %reduce_sum3A_222 : vector<1xf32> to vector<1x1x1xf32>
        %reduce_sum3A_224 = vector.extract %reduce_sum3A_223[0, 0, 0] : f32 from vector<1x1x1xf32>
        %ge3A_225 = arith.cmpf oge, %reduce_sum3A_224, %scan3A : f32
        %select_n3A_226 = arith.select %ge3A_225, %add3A_216, %scan3A_210 : i32
        %select_n3A_227 = arith.select %ge3A_225, %scan3A_211, %add3A_216 : i32
        scf.yield %select_n3A_226, %select_n3A_227 : i32, i32
      }
      %gt3A = vector.broadcast %scan3A_24#0 : i32 to vector<1x4096xi32>
      %gt3A_25 = arith.cmpi sgt, %bitcast_convert_type3A, %gt3A : vector<1x4096xi32>
      %convert_element_type3A_26 = arith.extui %gt3A_25 : vector<1x4096xi1> to vector<1x4096xi32>
      %convert_element_type3A_27 = arith.sitofp %convert_element_type3A_26 : vector<1x4096xi32> to vector<1x4096xf32>
      %reduce_sum3A_28 = vector.shape_cast %convert_element_type3A_27 : vector<1x4096xf32> to vector<1x1x4096xf32>
      %reduce_sum3A_29 = arith.constant dense<0.000000e+00> : vector<1xf32>
      %reduce_sum3A_30 = vector.multi_reduction <add>, %reduce_sum3A_28, %reduce_sum3A_29 [1, 2] : vector<1x1x4096xf32> to vector<1xf32>
      %reduce_sum3A_31 = vector.shape_cast %reduce_sum3A_30 : vector<1xf32> to vector<1x1x1xf32>
      %reduce_sum3A_32 = vector.extract %reduce_sum3A_31[0, 0, 0] : f32 from vector<1x1x1xf32>
      %eq3A_33 = vector.broadcast %scan3A_24#0 : i32 to vector<1x4096xi32>
      %eq3A_34 = arith.cmpi eq, %bitcast_convert_type3A, %eq3A_33 : vector<1x4096xi32>
      %convert_element_type3A_35 = arith.extui %eq3A_34 : vector<1x4096xi1> to vector<1x4096xi32>
      %convert_element_type3A_36 = arith.sitofp %convert_element_type3A_35 : vector<1x4096xi32> to vector<1x4096xf32>
      %pad3A = arith.constant 0.000000e+00 : f32
      %pad3A_37 = vector.broadcast %pad3A : f32 to vector<1x1xf32>
      %pad3A_38 = tpu.concatenate %pad3A_37, %convert_element_type3A_36 in 1 : vector<1x1xf32>, vector<1x4096xf32> -> vector<1x4097xf32>
      %slice3A = vector.extract_strided_slice %pad3A_38 {offsets = [0, 0], sizes = [1, 4096], strides = [1, 1]} : vector<1x4097xf32> to vector<1x4096xf32>
      %add3A = arith.addf %convert_element_type3A_36, %slice3A : vector<1x4096xf32>
      %pad3A_39 = arith.constant 0.000000e+00 : f32
      %pad3A_40 = vector.broadcast %pad3A_39 : f32 to vector<1x2xf32>
      %pad3A_41 = tpu.concatenate %pad3A_40, %add3A in 1 : vector<1x2xf32>, vector<1x4096xf32> -> vector<1x4098xf32>
      %slice3A_42 = vector.extract_strided_slice %pad3A_41 {offsets = [0, 0], sizes = [1, 4096], strides = [1, 1]} : vector<1x4098xf32> to vector<1x4096xf32>
      %add3A_43 = arith.addf %add3A, %slice3A_42 : vector<1x4096xf32>
      %pad3A_44 = arith.constant 0.000000e+00 : f32
      %pad3A_45 = vector.broadcast %pad3A_44 : f32 to vector<1x4xf32>
      %pad3A_46 = tpu.concatenate %pad3A_45, %add3A_43 in 1 : vector<1x4xf32>, vector<1x4096xf32> -> vector<1x4100xf32>
      %slice3A_47 = vector.extract_strided_slice %pad3A_46 {offsets = [0, 0], sizes = [1, 4096], strides = [1, 1]} : vector<1x4100xf32> to vector<1x4096xf32>
      %add3A_48 = arith.addf %add3A_43, %slice3A_47 : vector<1x4096xf32>
      %pad3A_49 = arith.constant 0.000000e+00 : f32
      %pad3A_50 = vector.broadcast %pad3A_49 : f32 to vector<1x8xf32>
      %pad3A_51 = tpu.concatenate %pad3A_50, %add3A_48 in 1 : vector<1x8xf32>, vector<1x4096xf32> -> vector<1x4104xf32>
      %slice3A_52 = vector.extract_strided_slice %pad3A_51 {offsets = [0, 0], sizes = [1, 4096], strides = [1, 1]} : vector<1x4104xf32> to vector<1x4096xf32>
      %add3A_53 = arith.addf %add3A_48, %slice3A_52 : vector<1x4096xf32>
      %pad3A_54 = arith.constant 0.000000e+00 : f32
      %pad3A_55 = vector.broadcast %pad3A_54 : f32 to vector<1x16xf32>
      %pad3A_56 = tpu.concatenate %pad3A_55, %add3A_53 in 1 : vector<1x16xf32>, vector<1x4096xf32> -> vector<1x4112xf32>
      %slice3A_57 = vector.extract_strided_slice %pad3A_56 {offsets = [0, 0], sizes = [1, 4096], strides = [1, 1]} : vector<1x4112xf32> to vector<1x4096xf32>
      %add3A_58 = arith.addf %add3A_53, %slice3A_57 : vector<1x4096xf32>
      %pad3A_59 = arith.constant 0.000000e+00 : f32
      %pad3A_60 = vector.broadcast %pad3A_59 : f32 to vector<1x32xf32>
      %pad3A_61 = tpu.concatenate %pad3A_60, %add3A_58 in 1 : vector<1x32xf32>, vector<1x4096xf32> -> vector<1x4128xf32>
      %slice3A_62 = vector.extract_strided_slice %pad3A_61 {offsets = [0, 0], sizes = [1, 4096], strides = [1, 1]} : vector<1x4128xf32> to vector<1x4096xf32>
      %add3A_63 = arith.addf %add3A_58, %slice3A_62 : vector<1x4096xf32>
      %pad3A_64 = arith.constant 0.000000e+00 : f32
      %pad3A_65 = vector.broadcast %pad3A_64 : f32 to vector<1x64xf32>
      %pad3A_66 = tpu.concatenate %pad3A_65, %add3A_63 in 1 : vector<1x64xf32>, vector<1x4096xf32> -> vector<1x4160xf32>
      %slice3A_67 = vector.extract_strided_slice %pad3A_66 {offsets = [0, 0], sizes = [1, 4096], strides = [1, 1]} : vector<1x4160xf32> to vector<1x4096xf32>
      %add3A_68 = arith.addf %add3A_63, %slice3A_67 : vector<1x4096xf32>
      %pad3A_69 = arith.constant 0.000000e+00 : f32
      %pad3A_70 = vector.broadcast %pad3A_69 : f32 to vector<1x128xf32>
      %pad3A_71 = tpu.concatenate %pad3A_70, %add3A_68 in 1 : vector<1x128xf32>, vector<1x4096xf32> -> vector<1x4224xf32>
      %slice3A_72 = vector.extract_strided_slice %pad3A_71 {offsets = [0, 0], sizes = [1, 4096], strides = [1, 1]} : vector<1x4224xf32> to vector<1x4096xf32>
      %add3A_73 = arith.addf %add3A_68, %slice3A_72 : vector<1x4096xf32>
      %pad3A_74 = arith.constant 0.000000e+00 : f32
      %pad3A_75 = vector.broadcast %pad3A_74 : f32 to vector<1x256xf32>
      %pad3A_76 = tpu.concatenate %pad3A_75, %add3A_73 in 1 : vector<1x256xf32>, vector<1x4096xf32> -> vector<1x4352xf32>
      %slice3A_77 = vector.extract_strided_slice %pad3A_76 {offsets = [0, 0], sizes = [1, 4096], strides = [1, 1]} : vector<1x4352xf32> to vector<1x4096xf32>
      %add3A_78 = arith.addf %add3A_73, %slice3A_77 : vector<1x4096xf32>
      %pad3A_79 = arith.constant 0.000000e+00 : f32
      %pad3A_80 = vector.broadcast %pad3A_79 : f32 to vector<1x512xf32>
      %pad3A_81 = tpu.concatenate %pad3A_80, %add3A_78 in 1 : vector<1x512xf32>, vector<1x4096xf32> -> vector<1x4608xf32>
      %slice3A_82 = vector.extract_strided_slice %pad3A_81 {offsets = [0, 0], sizes = [1, 4096], strides = [1, 1]} : vector<1x4608xf32> to vector<1x4096xf32>
      %add3A_83 = arith.addf %add3A_78, %slice3A_82 : vector<1x4096xf32>
      %pad3A_84 = arith.constant 0.000000e+00 : f32
      %pad3A_85 = vector.broadcast %pad3A_84 : f32 to vector<1x1024xf32>
      %pad3A_86 = tpu.concatenate %pad3A_85, %add3A_83 in 1 : vector<1x1024xf32>, vector<1x4096xf32> -> vector<1x5120xf32>
      %slice3A_87 = vector.extract_strided_slice %pad3A_86 {offsets = [0, 0], sizes = [1, 4096], strides = [1, 1]} : vector<1x5120xf32> to vector<1x4096xf32>
      %add3A_88 = arith.addf %add3A_83, %slice3A_87 : vector<1x4096xf32>
      %pad3A_89 = arith.constant 0.000000e+00 : f32
      %pad3A_90 = vector.broadcast %pad3A_89 : f32 to vector<1x2048xf32>
      %pad3A_91 = tpu.concatenate %pad3A_90, %add3A_88 in 1 : vector<1x2048xf32>, vector<1x4096xf32> -> vector<1x6144xf32>
      %slice3A_92 = vector.extract_strided_slice %pad3A_91 {offsets = [0, 0], sizes = [1, 4096], strides = [1, 1]} : vector<1x6144xf32> to vector<1x4096xf32>
      %add3A_93 = arith.addf %add3A_88, %slice3A_92 : vector<1x4096xf32>
      %sub3A = arith.subf %add3A_93, %convert_element_type3A_36 : vector<1x4096xf32>
      %gt3A_94 = vector.broadcast %scan3A_24#0 : i32 to vector<1x4096xi32>
      %gt3A_95 = arith.cmpi sgt, %bitcast_convert_type3A, %gt3A_94 : vector<1x4096xi32>
      %sub3A_96 = arith.constant 1.630000e+02 : f32
      %sub3A_97 = arith.subf %sub3A_96, %reduce_sum3A_32 : f32
      %lt3A_98 = vector.broadcast %sub3A_97 : f32 to vector<1x4096xf32>
      %lt3A_99 = arith.cmpf olt, %sub3A, %lt3A_98 : vector<1x4096xf32>
      %and3A = arith.andi %eq3A_34, %lt3A_99 : vector<1x4096xi1>
      %or3A = arith.ori %gt3A_95, %and3A : vector<1x4096xi1>
      %convert_element_type3A_100 = arith.extui %or3A : vector<1x4096xi1> to vector<1x4096xi32>
      %convert_element_type3A_101 = arith.sitofp %convert_element_type3A_100 : vector<1x4096xi32> to vector<1x4096xf32>
      %pad3A_102 = arith.constant 0.000000e+00 : f32
      %pad3A_103 = vector.broadcast %pad3A_102 : f32 to vector<1x1xf32>
      %pad3A_104 = tpu.concatenate %pad3A_103, %convert_element_type3A_101 in 1 : vector<1x1xf32>, vector<1x4096xf32> -> vector<1x4097xf32>
      %slice3A_105 = vector.extract_strided_slice %pad3A_104 {offsets = [0, 0], sizes = [1, 4096], strides = [1, 1]} : vector<1x4097xf32> to vector<1x4096xf32>
      %add3A_106 = arith.addf %convert_element_type3A_101, %slice3A_105 : vector<1x4096xf32>
      %pad3A_107 = arith.constant 0.000000e+00 : f32
      %pad3A_108 = vector.broadcast %pad3A_107 : f32 to vector<1x2xf32>
      %pad3A_109 = tpu.concatenate %pad3A_108, %add3A_106 in 1 : vector<1x2xf32>, vector<1x4096xf32> -> vector<1x4098xf32>
      %slice3A_110 = vector.extract_strided_slice %pad3A_109 {offsets = [0, 0], sizes = [1, 4096], strides = [1, 1]} : vector<1x4098xf32> to vector<1x4096xf32>
      %add3A_111 = arith.addf %add3A_106, %slice3A_110 : vector<1x4096xf32>
      %pad3A_112 = arith.constant 0.000000e+00 : f32
      %pad3A_113 = vector.broadcast %pad3A_112 : f32 to vector<1x4xf32>
      %pad3A_114 = tpu.concatenate %pad3A_113, %add3A_111 in 1 : vector<1x4xf32>, vector<1x4096xf32> -> vector<1x4100xf32>
      %slice3A_115 = vector.extract_strided_slice %pad3A_114 {offsets = [0, 0], sizes = [1, 4096], strides = [1, 1]} : vector<1x4100xf32> to vector<1x4096xf32>
      %add3A_116 = arith.addf %add3A_111, %slice3A_115 : vector<1x4096xf32>
      %pad3A_117 = arith.constant 0.000000e+00 : f32
      %pad3A_118 = vector.broadcast %pad3A_117 : f32 to vector<1x8xf32>
      %pad3A_119 = tpu.concatenate %pad3A_118, %add3A_116 in 1 : vector<1x8xf32>, vector<1x4096xf32> -> vector<1x4104xf32>
      %slice3A_120 = vector.extract_strided_slice %pad3A_119 {offsets = [0, 0], sizes = [1, 4096], strides = [1, 1]} : vector<1x4104xf32> to vector<1x4096xf32>
      %add3A_121 = arith.addf %add3A_116, %slice3A_120 : vector<1x4096xf32>
      %pad3A_122 = arith.constant 0.000000e+00 : f32
      %pad3A_123 = vector.broadcast %pad3A_122 : f32 to vector<1x16xf32>
      %pad3A_124 = tpu.concatenate %pad3A_123, %add3A_121 in 1 : vector<1x16xf32>, vector<1x4096xf32> -> vector<1x4112xf32>
      %slice3A_125 = vector.extract_strided_slice %pad3A_124 {offsets = [0, 0], sizes = [1, 4096], strides = [1, 1]} : vector<1x4112xf32> to vector<1x4096xf32>
      %add3A_126 = arith.addf %add3A_121, %slice3A_125 : vector<1x4096xf32>
      %pad3A_127 = arith.constant 0.000000e+00 : f32
      %pad3A_128 = vector.broadcast %pad3A_127 : f32 to vector<1x32xf32>
      %pad3A_129 = tpu.concatenate %pad3A_128, %add3A_126 in 1 : vector<1x32xf32>, vector<1x4096xf32> -> vector<1x4128xf32>
      %slice3A_130 = vector.extract_strided_slice %pad3A_129 {offsets = [0, 0], sizes = [1, 4096], strides = [1, 1]} : vector<1x4128xf32> to vector<1x4096xf32>
      %add3A_131 = arith.addf %add3A_126, %slice3A_130 : vector<1x4096xf32>
      %pad3A_132 = arith.constant 0.000000e+00 : f32
      %pad3A_133 = vector.broadcast %pad3A_132 : f32 to vector<1x64xf32>
      %pad3A_134 = tpu.concatenate %pad3A_133, %add3A_131 in 1 : vector<1x64xf32>, vector<1x4096xf32> -> vector<1x4160xf32>
      %slice3A_135 = vector.extract_strided_slice %pad3A_134 {offsets = [0, 0], sizes = [1, 4096], strides = [1, 1]} : vector<1x4160xf32> to vector<1x4096xf32>
      %add3A_136 = arith.addf %add3A_131, %slice3A_135 : vector<1x4096xf32>
      %pad3A_137 = arith.constant 0.000000e+00 : f32
      %pad3A_138 = vector.broadcast %pad3A_137 : f32 to vector<1x128xf32>
      %pad3A_139 = tpu.concatenate %pad3A_138, %add3A_136 in 1 : vector<1x128xf32>, vector<1x4096xf32> -> vector<1x4224xf32>
      %slice3A_140 = vector.extract_strided_slice %pad3A_139 {offsets = [0, 0], sizes = [1, 4096], strides = [1, 1]} : vector<1x4224xf32> to vector<1x4096xf32>
      %add3A_141 = arith.addf %add3A_136, %slice3A_140 : vector<1x4096xf32>
      %pad3A_142 = arith.constant 0.000000e+00 : f32
      %pad3A_143 = vector.broadcast %pad3A_142 : f32 to vector<1x256xf32>
      %pad3A_144 = tpu.concatenate %pad3A_143, %add3A_141 in 1 : vector<1x256xf32>, vector<1x4096xf32> -> vector<1x4352xf32>
      %slice3A_145 = vector.extract_strided_slice %pad3A_144 {offsets = [0, 0], sizes = [1, 4096], strides = [1, 1]} : vector<1x4352xf32> to vector<1x4096xf32>
      %add3A_146 = arith.addf %add3A_141, %slice3A_145 : vector<1x4096xf32>
      %pad3A_147 = arith.constant 0.000000e+00 : f32
      %pad3A_148 = vector.broadcast %pad3A_147 : f32 to vector<1x512xf32>
      %pad3A_149 = tpu.concatenate %pad3A_148, %add3A_146 in 1 : vector<1x512xf32>, vector<1x4096xf32> -> vector<1x4608xf32>
      %slice3A_150 = vector.extract_strided_slice %pad3A_149 {offsets = [0, 0], sizes = [1, 4096], strides = [1, 1]} : vector<1x4608xf32> to vector<1x4096xf32>
      %add3A_151 = arith.addf %add3A_146, %slice3A_150 : vector<1x4096xf32>
      %pad3A_152 = arith.constant 0.000000e+00 : f32
      %pad3A_153 = vector.broadcast %pad3A_152 : f32 to vector<1x1024xf32>
      %pad3A_154 = tpu.concatenate %pad3A_153, %add3A_151 in 1 : vector<1x1024xf32>, vector<1x4096xf32> -> vector<1x5120xf32>
      %slice3A_155 = vector.extract_strided_slice %pad3A_154 {offsets = [0, 0], sizes = [1, 4096], strides = [1, 1]} : vector<1x5120xf32> to vector<1x4096xf32>
      %add3A_156 = arith.addf %add3A_151, %slice3A_155 : vector<1x4096xf32>
      %pad3A_157 = arith.constant 0.000000e+00 : f32
      %pad3A_158 = vector.broadcast %pad3A_157 : f32 to vector<1x2048xf32>
      %pad3A_159 = tpu.concatenate %pad3A_158, %add3A_156 in 1 : vector<1x2048xf32>, vector<1x4096xf32> -> vector<1x6144xf32>
      %slice3A_160 = vector.extract_strided_slice %pad3A_159 {offsets = [0, 0], sizes = [1, 4096], strides = [1, 1]} : vector<1x6144xf32> to vector<1x4096xf32>
      %add3A_161 = arith.addf %add3A_156, %slice3A_160 : vector<1x4096xf32>
      %sub3A_162 = arith.constant 1.000000e+00 : f32
      %sub3A_163 = vector.broadcast %sub3A_162 : f32 to vector<1x4096xf32>
      %sub3A_164 = arith.subf %add3A_161, %sub3A_163 : vector<1x4096xf32>
      %convert_element_type3A_165 = arith.fptosi %sub3A_164 : vector<1x4096xf32> to vector<1x4096xi32>
      %jit3A = arith.constant -1 : i32
      %broadcast_in_dim3A_166 = vector.broadcast %jit3A : i32 to vector<1x4096xi32>
      %select_n3A = arith.select %or3A, %convert_element_type3A_165, %broadcast_in_dim3A_166 : vector<1x4096xi1>, vector<1x4096xi32>
      %iota3A = tpu.iota {dimensions = array<i32: 0>} : vector<168x4096xi32>
      %eq3A_167 = vector.broadcast %select_n3A : vector<1x4096xi32> to vector<168x4096xi32>
      %eq3A_168 = arith.cmpi eq, %eq3A_167, %iota3A : vector<168x4096xi32>
      %convert_element_type3A_169 = arith.extui %eq3A_168 : vector<168x4096xi1> to vector<168x4096xi32>
      %convert_element_type3A_170 = arith.sitofp %convert_element_type3A_169 : vector<168x4096xi32> to vector<168x4096xf32>
      %convert_element_type3A_171 = arith.truncf %convert_element_type3A_170 : vector<168x4096xf32> to vector<168x4096xbf16>
      %convert_element_type3A_172 = arith.truncf %get3A_9 : vector<192x4096xf32> to vector<192x4096xbf16>
      %convert_element_type3A_173 = arith.extf %convert_element_type3A_172 : vector<192x4096xbf16> to vector<192x4096xf32>
      %sub3A_174 = arith.subf %get3A_9, %convert_element_type3A_173 : vector<192x4096xf32>
      %convert_element_type3A_175 = arith.truncf %sub3A_174 : vector<192x4096xf32> to vector<192x4096xbf16>
      %convert_element_type3A_176 = arith.extf %convert_element_type3A_175 : vector<192x4096xbf16> to vector<192x4096xf32>
      %sub3A_177 = arith.subf %sub3A_174, %convert_element_type3A_176 : vector<192x4096xf32>
      %convert_element_type3A_178 = arith.truncf %sub3A_177 : vector<192x4096xf32> to vector<192x4096xbf16>
      %dot_general3A = arith.constant dense<0.000000e+00> : vector<168x192xf32>
      %dot_general3A_179 = tpu.matmul %convert_element_type3A_171, %convert_element_type3A_172, %dot_general3A {dimension_numbers = #tpu.dot_dimension_numbers<[1], [1], [0], [0], [0, 0, 1, 0], [], []>, transpose_lhs_hint = false} : vector<168x4096xbf16>, vector<192x4096xbf16>, vector<168x192xf32> -> vector<168x192xf32>
      %dot_general3A_180 = arith.constant dense<0.000000e+00> : vector<168x192xf32>
      %dot_general3A_181 = tpu.matmul %convert_element_type3A_171, %convert_element_type3A_175, %dot_general3A_180 {dimension_numbers = #tpu.dot_dimension_numbers<[1], [1], [0], [0], [0, 0, 1, 0], [], []>, transpose_lhs_hint = false} : vector<168x4096xbf16>, vector<192x4096xbf16>, vector<168x192xf32> -> vector<168x192xf32>
      %add3A_182 = arith.addf %dot_general3A_179, %dot_general3A_181 : vector<168x192xf32>
      %dot_general3A_183 = arith.constant dense<0.000000e+00> : vector<168x192xf32>
      %dot_general3A_184 = tpu.matmul %convert_element_type3A_171, %convert_element_type3A_178, %dot_general3A_183 {dimension_numbers = #tpu.dot_dimension_numbers<[1], [1], [0], [0], [0, 0, 1, 0], [], []>, transpose_lhs_hint = false} : vector<168x4096xbf16>, vector<192x4096xbf16>, vector<168x192xf32> -> vector<168x192xf32>
      %add3A_185 = arith.addf %add3A_182, %dot_general3A_184 : vector<168x192xf32>
      %mul3A = arith.constant 168 : i32
      %mul3A_186 = arith.muli %arg0, %mul3A : i32
      %swap3A_187 = arith.index_cast %mul3A_186 : i32 to index
      %swap3A_188 = arith.constant 0 : index
      %swap3A_189 = vector.load %arg7[%swap3A_187, %swap3A_188] : memref<1344x192xf32, #tpu.memory_space<vmem>>, vector<168x192xf32>
      tpu.vector_store %arg7[%swap3A_187, %swap3A_188], %add3A_185 {strides = array<i32>} : memref<1344x192xf32, #tpu.memory_space<vmem>>, vector<168x192xf32>,
      %convert_element_type3A_190 = arith.truncf %convert_element_type3A_170 : vector<168x4096xf32> to vector<168x4096xbf16>
      %iota3A_191 = tpu.iota {dimensions = array<i32: 1>} : vector<1x4096xi32>
      %convert_element_type3A_192 = arith.sitofp %iota3A_191 : vector<1x4096xi32> to vector<1x4096xf32>
      %convert_element_type3A_193 = arith.truncf %convert_element_type3A_192 : vector<1x4096xf32> to vector<1x4096xbf16>
      %convert_element_type3A_194 = arith.extf %convert_element_type3A_193 : vector<1x4096xbf16> to vector<1x4096xf32>
      %sub3A_195 = arith.subf %convert_element_type3A_192, %convert_element_type3A_194 : vector<1x4096xf32>
      %convert_element_type3A_196 = arith.truncf %sub3A_195 : vector<1x4096xf32> to vector<1x4096xbf16>
      %dot_general3A_197 = arith.constant dense<0.000000e+00> : vector<1x168xf32>
      %dot_general3A_198 = tpu.matmul %convert_element_type3A_193, %convert_element_type3A_190, %dot_general3A_197 {dimension_numbers = #tpu.dot_dimension_numbers<[1], [1], [0], [0], [0, 0, 1, 0], [], []>, transpose_lhs_hint = false} : vector<1x4096xbf16>, vector<168x4096xbf16>, vector<1x168xf32> -> vector<1x168xf32>
      %dot_general3A_199 = arith.constant dense<0.000000e+00> : vector<1x168xf32>
      %dot_general3A_200 = tpu.matmul %convert_element_type3A_196, %convert_element_type3A_190, %dot_general3A_199 {dimension_numbers = #tpu.dot_dimension_numbers<[1], [1], [0], [0], [0, 0, 1, 0], [], []>, transpose_lhs_hint = false} : vector<1x4096xbf16>, vector<168x4096xbf16>, vector<1x168xf32> -> vector<1x168xf32>
      %add3A_201 = arith.addf %dot_general3A_198, %dot_general3A_200 : vector<1x168xf32>
      %convert_element_type3A_202 = arith.fptosi %add3A_201 : vector<1x168xf32> to vector<1x168xi32>
      %swap3A_203 = arith.constant 0 : index
      %swap3A_204 = arith.constant 0 : index
      %swap3A_205 = arith.constant 0 : index
      %swap3A_206 = vector.load %arg5[%swap3A_203, %swap3A_204, %swap3A_205] : memref<1x1x168xi32, #tpu.memory_space<vmem>>, vector<1x1x168xi32>
      %swap3A_207 = vector.shape_cast %swap3A_206 : vector<1x1x168xi32> to vector<1x168xi32>
      %swap3A_208 = vector.shape_cast %convert_element_type3A_202 : vector<1x168xi32> to vector<1x1x168xi32>
      tpu.vector_store %arg5[%swap3A_203, %swap3A_204, %swap3A_205], %swap3A_208 {strides = array<i32>} : memref<1x1x168xi32, #tpu.memory_space<vmem>>, vector<1x1x168xi32>,
    } else {
    }
    %eq3A = arith.constant 8 : i32
    %eq3A_2 = arith.cmpi eq, %arg0, %eq3A : i32
    %convert_element_type3A_3 = arith.extui %eq3A_2 : i1 to i32
    %cond3A_4 = arith.constant 0 : i32
    %cond3A_5 = arith.cmpi ne, %convert_element_type3A_3, %cond3A_4 : i32
    scf.if %cond3A_5 {
      %get3A = arith.constant 0 : index
      %get3A_6 = arith.constant 0 : index
      %get3A_7 = vector.load %arg7[%get3A, %get3A_6] : memref<1344x192xf32, #tpu.memory_space<vmem>>, vector<1344x192xf32>
      %mul3A = arith.mulf %get3A_7, %get3A_7 : vector<1344x192xf32>
      %reduce_sum3A = arith.constant dense<0.000000e+00> : vector<1344xf32>
      %reduce_sum3A_8 = vector.multi_reduction <add>, %mul3A, %reduce_sum3A [1] : vector<1344x192xf32> to vector<1344xf32>
      %broadcast_in_dim3A = vector.shape_cast %reduce_sum3A_8 : vector<1344xf32> to vector<1344x1xf32>
      %sqrt3A = math.sqrt %broadcast_in_dim3A : vector<1344x1xf32>
      %add3A = arith.constant 9.99999996E-13 : f32
      %add3A_9 = vector.broadcast %add3A : f32 to vector<1344x1xf32>
      %add3A_10 = arith.addf %sqrt3A, %add3A_9 : vector<1344x1xf32>
      %div3A = vector.broadcast %add3A_10 : vector<1344x1xf32> to vector<1344x192xf32>
      %div3A_11 = arith.divf %get3A_7, %div3A : vector<1344x192xf32>
      %dot_general3A = arith.constant dense<0.000000e+00> : vector<1344x1344xf32>
      %dot_general3A_12 = tpu.matmul %div3A_11, %div3A_11, %dot_general3A {dimension_numbers = #tpu.dot_dimension_numbers<[1], [1], [0], [0], [0, 0, 1, 0], [], []>, precision = #tpu.contract_precision<fp32>, transpose_lhs_hint = false} : vector<1344x192xf32>, vector<1344x192xf32>, vector<1344x1344xf32> -> vector<1344x1344xf32>
      %sub3A = arith.constant 1.000000e+00 : f32
      %sub3A_13 = vector.broadcast %sub3A : f32 to vector<1344x1344xf32>
      %sub3A_14 = arith.subf %sub3A_13, %dot_general3A_12 : vector<1344x1344xf32>
      %mul3A_15 = arith.constant 5.000000e-01 : f32
      %mul3A_16 = vector.broadcast %mul3A_15 : f32 to vector<1344x1344xf32>
      %mul3A_17 = arith.mulf %sub3A_14, %mul3A_16 : vector<1344x1344xf32>
      %lt3A_18 = arith.constant 2.000000e-01 : f32
      %lt3A_19 = vector.broadcast %lt3A_18 : f32 to vector<1344x1344xf32>
      %lt3A_20 = arith.cmpf olt, %mul3A_17, %lt3A_19 : vector<1344x1344xf32>
      %jit3A = arith.constant 0.000000e+00 : f32
      %broadcast_in_dim3A_21 = vector.broadcast %jit3A : f32 to vector<1344x1344xf32>
      %select_n3A = arith.select %lt3A_20, %mul3A_17, %broadcast_in_dim3A_21 : vector<1344x1344xi1>, vector<1344x1344xf32>
      %get3A_22 = arith.constant 0 : index
      %get3A_23 = arith.constant 0 : index
      %get3A_24 = vector.load %arg2[%get3A_22, %get3A_23] : memref<192x192xf32, #tpu.memory_space<vmem>>, vector<192x192xf32>
      %dot_general3A_25 = arith.constant dense<0.000000e+00> : vector<1344x192xf32>
      %dot_general3A_26 = tpu.matmul %get3A_7, %get3A_24, %dot_general3A_25 {dimension_numbers = #tpu.dot_dimension_numbers<[1], [0], [0], [1], [0, 0, 1, 1], [], []>, transpose_lhs_hint = false} : vector<1344x192xf32>, vector<192x192xf32>, vector<1344x192xf32> -> vector<1344x192xf32>
      %get3A_27 = arith.constant 0 : index
      %get3A_28 = arith.constant 0 : index
      %get3A_29 = vector.load %arg3[%get3A_27, %get3A_28] : memref<1x192xf32, #tpu.memory_space<vmem>>, vector<1x192xf32>
      %add3A_30 = vector.broadcast %get3A_29 : vector<1x192xf32> to vector<1344x192xf32>
      %add3A_31 = arith.addf %dot_general3A_26, %add3A_30 : vector<1344x192xf32>
      %dot_general3A_32 = arith.constant dense<0.000000e+00> : vector<1344x192xf32>
      %dot_general3A_33 = tpu.matmul %select_n3A, %add3A_31, %dot_general3A_32 {dimension_numbers = #tpu.dot_dimension_numbers<[1], [0], [0], [1], [0, 0, 1, 1], [], []>, transpose_lhs_hint = false} : vector<1344x1344xf32>, vector<1344x192xf32>, vector<1344x192xf32> -> vector<1344x192xf32>
      %max3A = arith.constant 0.000000e+00 : f32
      %max3A_34 = vector.broadcast %max3A : f32 to vector<1344x192xf32>
      %max3A_35 = arith.maximumf %dot_general3A_33, %max3A_34 : vector<1344x192xf32>
      %swap3A = arith.constant 0 : index
      %swap3A_36 = arith.constant 0 : index
      %swap3A_37 = vector.load %arg6[%swap3A, %swap3A_36] : memref<1344x192xf32, #tpu.memory_space<vmem>>, vector<1344x192xf32>
      tpu.vector_store %arg6[%swap3A, %swap3A_36], %max3A_35 {strides = array<i32>} : memref<1344x192xf32, #tpu.memory_space<vmem>>, vector<1344x192xf32>,
    } else {
    }
    return
  }
  func.func @transform_0(%arg0: i32) -> (i32, i32, i32) {
    %min3A = arith.constant 7 : i32
    %min3A_0 = arith.minsi %arg0, %min3A : i32
    %c0_i32 = arith.constant 0 : i32
    %c0_i32_1 = arith.constant 0 : i32
    %c0_i32_2 = arith.constant 0 : i32
    return %min3A_0, %c0_i32, %c0_i32_1 : i32, i32, i32
  }
  func.func @transform_1(%arg0: i32) -> (i32, i32) {
    %c0_i32 = arith.constant 0 : i32
    %c0_i32_0 = arith.constant 0 : i32
    %c0_i32_1 = arith.constant 0 : i32
    return %c0_i32, %c0_i32_0 : i32, i32
  }
  func.func @transform_2(%arg0: i32) -> (i32, i32) {
    %c0_i32 = arith.constant 0 : i32
    %c0_i32_0 = arith.constant 0 : i32
    %c0_i32_1 = arith.constant 0 : i32
    return %c0_i32, %c0_i32_0 : i32, i32
  }
  func.func @transform_3(%arg0: i32) -> (i32, i32, i32) {
    %min3A = arith.constant 7 : i32
    %min3A_0 = arith.minsi %arg0, %min3A : i32
    %c0_i32 = arith.constant 0 : i32
    %c0_i32_1 = arith.constant 0 : i32
    %c0_i32_2 = arith.constant 0 : i32
    return %min3A_0, %c0_i32, %c0_i32_1 : i32, i32, i32
  }
  func.func @transform_4(%arg0: i32) -> (i32, i32, i32) {
    %min3A = arith.constant 7 : i32
    %min3A_0 = arith.minsi %arg0, %min3A : i32
    %c0_i32 = arith.constant 0 : i32
    %c0_i32_1 = arith.constant 0 : i32
    %c0_i32_2 = arith.constant 0 : i32
    return %min3A_0, %c0_i32, %c0_i32_1 : i32, i32, i32
  }
  func.func @transform_5(%arg0: i32) -> (i32, i32) {
    %c0_i32 = arith.constant 0 : i32
    %c0_i32_0 = arith.constant 0 : i32
    %c0_i32_1 = arith.constant 0 : i32
    return %c0_i32, %c0_i32_0 : i32, i32
  }
}

</mosaic_0001>

<sc_bundles>
// kernel: kernel.4.cloned.1.call-start
scs
__scs_entry_jumppad:
0x0: {  	(pc) =	sbr.rel $0x88, $3  }
0x1: {  	(tag) =	ssettag $0x0;
	lr =	simm.s32 $0x1  }
0x2: {  	[smem:$0x3F9E] =	sst lr;
	_ =	strace $0xD0000000  }
0x3: {  	_ = 	snop  }
0x4: {  	_ = 	snop  }
0x5: {  	_ = 	snop  }
0x6: {  	_ = 	snop  }
0x7: {  	_ = 	snop  }
__scs_overlays_trampoline_lowered:
0x8: {  	[smem:$0x3FAD] =	sst s0  }
0x9: {  	[smem:$0x3FAE] =	sst s1  }
0xa: {  	[smem:$0x3FAF] =	sst s2  }
0xb: {  	[smem:$0x3FB0] =	sst s3  }
0xc: {  	[smem:$0x3FB1] =	sst s4  }
0xd: {  	[smem:$0x3FB2] =	sst s5  }
0xe: {  	[smem:$0x3FB3] =	sst s6  }
0xf: {  	[smem:$0x3FB4] =	sst s7  }
0x10: {  	[smem:$0x3FB5] =	sst s8  }
0x11: {  	[smem:$0x3FB6] =	sst s9;
	s0 =	simm.s32 @!p0 $0x0  }
0x12: {  	s1 =	sld [smem:$0x3F9C];
	s0 =	simm.s32 @p0 $0x1  }
0x13: {  	[smem:$0x3FB7] =	sst s0;
	s0 =	simm.s32 @!p1 $0x0  }
0x14: {  	s2 =	sld [smem:$0x3F9B];
	s0 =	simm.s32 @p1 $0x1  }
0x15: {  	[smem:$0x3FB8] =	sst s0;
	s0 =	simm.s32 @!p2 $0x0  }
0x16: {  	s3 =	sld [smem:$0x3FDB];
	s0 =	simm.s32 @p2 $0x1  }
0x17: {  	s4 =	simm.s32 $0x1BF5;
	[smem:$0x3FBA] =	sst s0  }
0x18: {  	s0 =	sld [smem:$0x3F9D];
	_ =	swait.ge [sflag:s4], $0x0  }
0x19: {  	s7 =	sld [smem:$0x3F9E]  }
0x1a: {  	s8 =	sadd.s32 $0xFFFFE003, lr  }
0x1b: {  	s9 =	sadd.s32 $0xFFFFFEF7, lr;
	s5 =	simm.s32 $0xFFFFFFFF;
	p2 =	slt.u32 s8, $0xFFFFF086  }
0x1c: {  	p1 =	slt.u32 s9, $0xF7A;
	s5 =	simm.s32 @!p2 $0x0  }
0x1d: {  	s5 =	simm.s32 @p1 $0x1;
	p0 =	seq.s32 s7, s2  }
0x1e: {  	s7 =	smul.u32 @!p0 $0xF7A, s2;
	p2 =	seq.s32 @!p0 s5, $0x0  }
0x1f: {  	s9 =	smul.u32 $0xF7A, s1;
	s8 =	simm.s32 @!p0 $0x1BF5;
	p2 =	por !p2, p0  }
0x20: {  	[sflag:s8] =	ssyncset.s32 @!p0 $0xFFFFF086;
	s6 =	sadd.s32 @!p0 s3, s7;
	s7 =	simm.s32 @!p0 $0x108  }
0x21: {  	s3 =	sadd.s32 s3, s9;
	s6 =	sadd.s32 @!p0 $0x88, s6;
	s7 =	simm.s32 @p2 $0x1082  }
0x22: {  	[simem:s7], [sflag:s8] =	dma.local @!p0 [hbm:s6], $0xF7A  }
0x23: {  	s9 =	sor.u32 $0xD0000000, s2;
	s6 =	simm.s32 $0x108;
	_ =	swait.ge @!p0 [sflag:s8], $0x0  }
0x24: {  	s3 =	sadd.s32 $0x88, s3;
	s6 =	simm.s32 @!p1 $0x1082;
	[sflag:s4] =	ssyncset.s32 $0xFFFFF086  }
0x25: {  	[simem:s6], [sflag:s4] =	dma.local [hbm:s3], $0xF7A  }
0x26: {  	[smem:$0x3F9E] =	sst s1;
	(tag) =	ssettag s2;
	_ =	strace s9  }
0x27: {  	s1 =	sld [smem:$0x3FAE]  }
0x28: {  	s2 =	sld [smem:$0x3FAF]  }
0x29: {  	s4 =	sld [smem:$0x3FB1]  }
0x2a: {  	p0 =	seq.s32 s5, $0x0;
	s5 =	sld [smem:$0x3FB2]  }
0x2b: {  	s6 =	sld [smem:$0x3FB3]  }
0x2c: {  	s7 =	sld [smem:$0x3FB4]  }
0x2d: {  	s3 =	simm.s32 $0x108;
	s8 =	sld [smem:$0x3FB5]  }
0x2e: {  	s3 =	simm.s32 @!p0 $0x1082;
	s9 =	sld [smem:$0x3FB6]  }
0x2f: {  	lr =	sadd.s32 s0, s3;
	s0 =	sld [smem:$0x3FAD]  }
0x30: {  	s3 =	sld [smem:$0x3FB0]  }
0x31: {  	[smem:$0x3FB9] =	sst s10  }
0x32: {  	s10 =	sld [smem:$0x3FB7];
	_ =	sdelay $0x3  }
0x33: {  	p0 =	seq.s32 s10, $0x1;
	s10 =	sld [smem:$0x3FB9];
	_ =	sdelay $0x3  }
0x34: {  	[smem:$0x3FB9] =	sst s10  }
0x35: {  	s10 =	sld [smem:$0x3FB8];
	_ =	sdelay $0x3  }
0x36: {  	p1 =	seq.s32 s10, $0x1;
	s10 =	sld [smem:$0x3FB9];
	_ =	sdelay $0x3  }
0x37: {  	[smem:$0x3FB9] =	sst s10  }
0x38: {  	s10 =	sld [smem:$0x3FBA]  }
0x39: {  	_ = 	snop;
	(pc) =	sbr.ind lr, $3  }
0x3a: {  	_ = 	snop  }
0x3b: {  	_ = 	snop  }
0x3c: {  	p2 =	seq.s32 s10, $0x1;
	s10 =	sld [smem:$0x3FB9]  }
0x3d: {  	_ =	shalt  }
0x3e: {  	_ =	shalt  }
0x3f: {  	_ =	shalt  }
0x40: {  	_ =	shalt  }
0x41: {  	_ =	shalt  }
0x42: {  	_ =	shalt  }
0x43: {  	_ =	shalt  }
0x44: {  	_ =	shalt  }
0x45: {  	_ =	shalt  }
0x46: {  	_ =	shalt  }
0x47: {  	_ =	shalt  }
0x48: {  	_ =	shalt  }
0x49: {  	_ =	shalt  }
0x4a: {  	_ =	shalt  }
0x4b: {  	_ =	shalt  }
0x4c: {  	_ =	shalt  }
0x4d: {  	_ =	shalt  }
0x4e: {  	_ =	shalt  }
0x4f: {  	_ =	shalt  }
0x50: {  	_ =	shalt  }
0x51: {  	_ =	shalt  }
0x52: {  	_ =	shalt  }
0x53: {  	_ =	shalt  }
0x54: {  	_ =	shalt  }
0x55: {  	_ =	shalt  }
0x56: {  	_ =	shalt  }
0x57: {  	_ =	shalt  }
0x58: {  	_ =	shalt  }
0x59: {  	_ =	shalt  }
0x5a: {  	_ =	shalt  }
0x5b: {  	_ =	shalt  }
0x5c: {  	_ =	shalt  }
0x5d: {  	_ =	shalt  }
0x5e: {  	_ =	shalt  }
0x5f: {  	_ =	shalt  }
0x60: {  	_ =	shalt  }
0x61: {  	_ =	shalt  }
0x62: {  	_ =	shalt  }
0x63: {  	_ =	shalt  }
0x64: {  	_ =	shalt  }
0x65: {  	_ =	shalt  }
0x66: {  	_ =	shalt  }
0x67: {  	_ =	shalt  }
0x68: {  	_ =	shalt  }
0x69: {  	_ =	shalt  }
0x6a: {  	_ =	shalt  }
0x6b: {  	_ =	shalt  }
0x6c: {  	_ =	shalt  }
0x6d: {  	_ =	shalt  }
0x6e: {  	_ =	shalt  }
0x6f: {  	_ =	shalt  }
0x70: {  	_ =	shalt  }
0x71: {  	_ =	shalt  }
0x72: {  	_ =	shalt  }
0x73: {  	_ =	shalt  }
0x74: {  	_ =	shalt  }
0x75: {  	_ =	shalt  }
0x76: {  	_ =	shalt  }
0x77: {  	_ =	shalt  }
0x78: {  	_ =	shalt  }
0x79: {  	_ =	shalt  }
0x7a: {  	_ =	shalt  }
0x7b: {  	_ =	shalt  }
0x7c: {  	_ =	shalt  }
0x7d: {  	_ =	shalt  }
0x7e: {  	_ =	shalt  }
0x7f: {  	_ =	shalt  }
0x80: {  	_ =	shalt  }
0x81: {  	_ =	shalt  }
0x82: {  	_ =	shalt  }
0x83: {  	_ =	shalt  }
0x84: {  	_ =	shalt  }
0x85: {  	_ =	shalt  }
0x86: {  	_ =	shalt  }
0x87: {  	_ =	shalt  }
.Lfunc_end0:
.L_simem_size_0:
called_computation_lowered:
.L_overlay_start_0:
0x88: {  	s2 =	sld [smem:$0x3FD9]  }
0x89: {  	s3 =	sld [smem:$0x3FFE];
	_ =	sdelay $0x1  }
0x8a: {  	s1 =	srdreg.scid  }
0x8b: {  	s0 =	sand.u32 $0x1, s1  }
0x8c: {  	s17 =	sshll.u32 s0, $0xA;
	s2 =	sadd.s32 s3, s2  }
0x8d: {  	s2 =	sadd.s32 s2, s17  }
0x8e: {  	[smem:$0x3FC5] =	sst s2  }
0x8f: {  	_ = 	snop  }
0x90: {  	s2 =	sld [smem:$0x3FD0];
	(tm) =	ssettm $0x1  }
0x91: {  	s18 =	sld [smem:$0x3FFB];
	_ =	sdelay $0x3  }
0x92: {  	_ =	strace s18  }
0x93: {  	s3 =	sld [smem:$0x3FFC];
	_ =	sdelay $0x3  }
0x94: {  	_ =	strace s3  }
0x95: {  	s3 =	sld [smem:$0x3FFD];
	_ =	sdelay $0x3  }
0x96: {  	_ =	strace s3  }
0x97: {  	_ =	strace $0x8FFFFFFF  }
0x98: {  	s19 =	sld [smem:$0x3FDB];
	_ =	sdelay $0x1  }
0x99: {  	s4 =	simm.s32 $_scs_section_size  }
0x9a: {  	s5 =	simm.s32 $_size__tile_overlayer_lowered;
	s6 =	simm.s32 $_tile_overlayer_lowered  }
0x9b: {  	s22 =	simm.s32 $0x1BFF;
	s21 =	sshll.u32 s6, $0x1;
	s3 =	sadd.s32 s4, s19  }
0x9c: {  	s7 =	simm.s32 $0x0;
	s20 =	sshll.u32 s5, $0x1;
	s5 =	sadd.s32 s21, s3  }
0x9d: {  	[timem:s7], [sflag:s22] =	dma.local [hbm:s5], s20  }
0x9e: {  	_ =	swait.ge [sflag:s22], s20  }
0x9f: {  	s4 =	ssub.s32 $0x0, s20;
	[sflag:s22] =	ssyncset.done $0x0  }
0xa0: {  	[sflag:s22] =	ssyncadd.s32 s4;
	_ =	sdelay $0x1  }
0xa1: {  	s23 =	simm.s32 $0x1B8B  }
0xa2: {  	_ =	swait.ge [sflag:s23], $0x1  }
0xa3: {  	[sflag:s23] =	ssyncset.done $0x0  }
0xa4: {  	s25 =	simm.s32 $0x1B8E;
	s24 =	sld [smem:$0x3FFE];
	[sflag:s23] =	ssyncadd.s32 $0xFFFFFFFF  }
0xa5: {  	s26 =	simm.s32 $execute0_lowered;
	[smem:$0x3FD2] =	sst s25  }
0xa6: {  	s5 =	sshll.u32 s26, $0x1;
	_ =	strace $0x80000046;
	[dreg:$0x1] =	wrdreg $0xFFFFFFFF  }
0xa7: {  	s28 =	simm.s32 $_size_execute0_lowered;
	s3 =	sadd.s32 s3, s5;
	[dreg:$0x0] =	wrdreg $0x0  }
0xa8: {  	s5 =	sshll.u32 s28, $0x1;
	[dreg:$0x2] =	wrdreg s3  }
0xa9: {  	[dreg:$0x3] =	wrdreg s5  }
0xaa: {  	[dreg:$0x4] =	wrdreg $0xC0  }
0xab: {  	_ =	task [dreg:s7], $0x5FFFF  }
0xac: {  	[dreg:$0x1] =	wrdreg $0xFFFFFFFF  }
0xad: {  	[dreg:$0x0] =	wrdreg $0x60  }
0xae: {  	[dreg:$0x2] =	wrdreg s2  }
0xaf: {  	[dreg:$0x3] =	wrdreg s24  }
0xb0: {  	[dreg:$0x4] =	wrdreg $0x9  }
0xb1: {  	_ =	task.clear_ibuf [dreg:s7], $0x5FFFF;
	_ =	strace $0x90000046  }
0xb2: {  	s29 =	simm.s32 $0x9;
	_ =	strace $0x80000048  }
0xb3: {  	_ =	swait.ge [sflag:s29], $0x1  }
0xb4: {  	[sflag:s29] =	ssyncadd.s32 $0xFFFFFFFF  }
0xb5: {  	_ =	strace $0x90000048  }
0xb6: {  	_ =	sfence  }
0xb7: {  	s30 =	sld [smem:$0x0];
	_ =	sdelay $0x2  }
0xb8: {  	s31 =	sshll.u32 s1, $0xD;
	s1 =	sshrl.u32 s1, $0x2  }
0xb9: {  	s3 =	sand.u32 $0x4000, s31;
	s1 =	sadd.s32 s1, s30  }
0xba: {  	s0 =	sor.u32 s3, s0;
	s1 =	sshll.u32 s1, $0x11  }
0xbb: {  	s0 =	sor.u32 s1, s0  }
0xbc: {  	s0 =	sadd.s32 $0x8F2B, s0  }
0xbd: {  	[sflag:s0] =	ssyncadd.remote.s32 $0x1  }
0xbe: {  	_ =	sfence.sel $0xFFFF  }
0xbf: {  	[dreg:$0x0] =	wrdreg $0xFFFFFFFF;
	(pc) =	sbr.abs _section_cstart, $3  }
0xc0: {  	[dreg:$0x1] =	wrdreg $0xFFFFFFFF  }
0xc1: {  	_ =	task.clear_ibuf [dreg:s7], $0x2FFFF;
	_ =	strace $0x9FFFFFFF  }
0xc2: {  	(tm) =	ssettm $0x7FFFFFFF  }
0xc3: {  	_ =	shalt  }
tec
execute0_lowered:
.L_overlay_start_1:
0x0: {  	(tag) =	ssettag $0x1  }
0x1: {  	s1 =	stileid.u32  }
0x2: {  	p0 =	sgt.u32 s1, $0xD  }
.Ltmp0:
0x3: {  	_ = 	snop;
	(pc) =	sbr.rel @p0 .LBB2_9-.Ltmp0, $4  }
0x4: {  	_ = 	snop  }
0x5: {  	s2 =	rddreg [dreg:$0x0];
	s3 =	simm.s32 $0x0  }
0x6: {  	[smem:$0x7FF] =	sst s3  }
0x7: {  	s4 =	rddreg [dreg:$0x1];
	_ =	strace $0x80000047  }
0x8: {  	s5 =	srdreg.scid  }
0x9: {  	s6 =	sshll.u32 s1, $0x1;
	s5 =	sand.u32 $0x1, s5  }
0xa: {  	s10 =	smul.u32 $0x60, s1;
	s6 =	sor.u32 s5, s6  }
0xb: {  	s7 =	smul.u32 $0x30, s6  }
0xc: {  	s6 =	smul.u32 $0x600, s6  }
.Ltmp1:
0xd: {  	s29 =	sadd.s32 $0xC0800, s4;
	s8 =	ssub.s32 $0x2, s5;
	(pc) =	sbr.rel .LBB2_2-.Ltmp1, $4  }
0xe: {  	s30 =	sadd.s32 $0x800, s4;
	s11 =	smul.u32 $0x30, s5;
	s9 =	sshrl.u32 s8, $0x1  }
0xf: {  	s8 =	ssub.s32 s8, s9;
	s9 =	simm.s32 $0x1;
	s4 =	sadd.s32 s29, s6  }
0x10: {  	s31 =	sshrl.u32 s7, $0x3;
	s6 =	smax.u32 s8, $0x1;
	s7 =	sadd.s32 s11, s10  }
0x11: {  	s8 =	simm.s32 $0x80;
	s10 =	simm.s32 $0x2;
	s5 =	sadd.s32 s30, s31  }
.LBB2_7:
0x12: {  	[sflag:s10] =	ssyncadd.s32 $0xFFFFFFF0  }
.LBB2_8:
0x13: {  	s3 =	sadd.s32 $0x1, s3  }
0x14: {  	p0 =	sne.s32 s3, s6  }
.Ltmp2:
0x15: {  	_ = 	snop;
	(pc) =	sbr.rel @!p0 .LBB2_9-.Ltmp2, $1  }
0x16: {  	_ =	sdelay $0x3  }
.LBB2_2:
0x17: {  	s11 =	simm.s32 $0x0;
	s12 =	sshrl.u32 s7, $0x3  }
0x18: {  	[tilespmem:s11], [sflag:$0x1] =	stream.linear.gather [hbm4b:s5+s11], $0x30, $0x38;
	[tilespmem:$0x3080] =	vst v63  }
0x19: {  	s12 =	smulhi.u32 $0x18618619, s12  }
0x1a: {  	[tilespmem:s8], [sflag:$0x1] =	stream.linear.gather [hbm4b:s4+s11], $0x3000, $0x38;
	[tilespmem:$0x3080] =	vst v63  }
0x1b: {  	_ =	swait.ge [sflag:s9], $0x30  }
0x1c: {  	s12 =	sshrl.u32 s12, $0x1;
	[sflag:s9] =	ssyncset.done $0x0  }
0x1d: {  	s12 =	smul.u32 $0xFFFFFF58, s12;
	[sflag:s9] =	ssyncadd.s32 $0xFFFFFFD0  }
0x1e: {  	_ =	swait.ge [sflag:s9], $0x3000  }
0x1f: {  	s12 =	sadd.s32 s12, s7;
	[sflag:s9] =	ssyncset.done $0x0  }
0x20: {  	p1 =	sgt.u32 s12, $0xA2;
	[sflag:s9] =	ssyncadd.s32 $0xFFFFD000  }
0x21: {  	v0 =	vld @!p1 [tilespmem:s11+$0x0];
	_ =	sdelay $0x4  }
0x22: {  	(v2sf) =	vpush @!p1 v0, $0x0;
	_ =	sdelay $0x9  }
0x23: {  	s13 =	sshrl.u32 @!p1 s7, $0x3  }
0x24: {  	s13 =	smulhi.u32 @!p1 $0x18618619, s13;
	_ =	sdelay $0x1  }
0x25: {  	s13 =	sshrl.u32 @!p1 s13, $0x1  }
0x26: {  	s13 =	smul.u32 @!p1 $0xC0000, s13;
	v0 =	vlaneseq.u32 @!p1  }
0x27: {  	p0 =	por p1, p1;
	v0 =	vmul.u32 @!p1 $0x1000, v0;
	s14 =	spop @!p1 (v2sf)  }
0x28: {  	s13 =	sadd.s32 @!p0 s13, s14  }
0x29: {  	v1 =	vadd.s32 @!p0 s13, v0  }
0x2a: {  	v2 =	vor.u32 @!p1 $0x10000, v0  }
0x2b: {  	s14 =	sand.u32 @!p1 $0x3800, s11;
	s11 =	sand.u32 @!p1 $0x380, s11;
	v2 =	vadd.s32 @!p0 s13, v2  }
0x2c: {  	v3 =	vor.u32 @!p1 $0x20000, v0;
	s11 =	sor.u32 @!p1 s11, s14  }
0x2d: {  	vm0 =	vmmov @!p0 $0xffff;
	s17 =	simm.s32 @!p0 $0x0;
	v3 =	vadd.s32 @!p0 s13, v3;
	s14 =	sadd.s32 @!p1 $0x80, s11  }
0x2e: {  	v4 =	vor.u32 @!p1 $0x30000, v0;
	[hbm4b:s2+s17] =	stream.indirect_vreg.scatter @!p0 [tilespmem:s14], [sflag:$0x2], $0x1, v1, vm0, $0xb8;
	[tilespmem:$0x3080] =	vst v63  }
0x2f: {  	s14 =	sadd.s32 @!p1 $0x90, s11;
	v1 =	vadd.s32 @!p0 s13, v4  }
0x30: {  	v4 =	vor.u32 @!p1 $0x40000, v0;
	[hbm4b:s2+s17] =	stream.indirect_vreg.scatter @!p0 [tilespmem:s14], [sflag:$0x2], $0x1, v2, vm0, $0xb8;
	[tilespmem:$0x3080] =	vst v63  }
0x31: {  	s14 =	sadd.s32 @!p1 $0xA0, s11;
	v2 =	vadd.s32 @!p0 s13, v4  }
0x32: {  	v4 =	vor.u32 @!p1 $0x50000, v0;
	[hbm4b:s2+s17] =	stream.indirect_vreg.scatter @!p0 [tilespmem:s14], [sflag:$0x2], $0x1, v3, vm0, $0xb8;
	[tilespmem:$0x3080] =	vst v63  }
0x33: {  	s14 =	sadd.s32 @!p1 $0xB0, s11;
	v3 =	vadd.s32 @!p0 s13, v4  }
0x34: {  	v4 =	vor.u32 @!p1 $0x60000, v0;
	[hbm4b:s2+s17] =	stream.indirect_vreg.scatter @!p0 [tilespmem:s14], [sflag:$0x2], $0x1, v1, vm0, $0xb8;
	[tilespmem:$0x3080] =	vst v63  }
0x35: {  	s14 =	sadd.s32 @!p1 $0xC0, s11;
	v1 =	vadd.s32 @!p0 s13, v4  }
0x36: {  	v4 =	vor.u32 @!p1 $0x70000, v0;
	[hbm4b:s2+s17] =	stream.indirect_vreg.scatter @!p0 [tilespmem:s14], [sflag:$0x2], $0x1, v2, vm0, $0xb8;
	[tilespmem:$0x3080] =	vst v63  }
0x37: {  	p2 =	slt.u32 s12, $0xA3;
	s12 =	sadd.s32 @!p1 $0xD0, s11;
	v2 =	vadd.s32 @!p0 s13, v4  }
0x38: {  	v4 =	vor.u32 @!p1 $0x80000, v0;
	[hbm4b:s2+s17] =	stream.indirect_vreg.scatter @!p0 [tilespmem:s12], [sflag:$0x2], $0x1, v3, vm0, $0xb8;
	[tilespmem:$0x3080] =	vst v63  }
0x39: {  	s12 =	sadd.s32 @!p1 $0xE0, s11;
	v3 =	vadd.s32 @!p0 s13, v4  }
0x3a: {  	v4 =	vor.u32 @!p1 $0x90000, v0;
	[hbm4b:s2+s17] =	stream.indirect_vreg.scatter @!p0 [tilespmem:s12], [sflag:$0x2], $0x1, v1, vm0, $0xb8;
	[tilespmem:$0x3080] =	vst v63  }
0x3b: {  	s14 =	sadd.s32 @!p1 $0xF0, s11;
	v1 =	vadd.s32 @!p0 s13, v4  }
0x3c: {  	[hbm4b:s2+s17] =	stream.indirect_vreg.scatter @!p0 [tilespmem:s14], [sflag:$0x2], $0x1, v2, vm0, $0xb8;
	[tilespmem:$0x3080] =	vst v63  }
0x3d: {  	s18 =	sadd.s32 @!p1 $0x480, s11;
	s12 =	sadd.s32 $0x1, s7  }
0x3e: {  	[hbm4b:s2+s17] =	stream.indirect_vreg.scatter @!p0 [tilespmem:s18], [sflag:$0x2], $0x1, v3, vm0, $0xb8;
	[tilespmem:$0x3080] =	vst v63  }
0x3f: {  	s20 =	sshrl.u32 s12, $0x3;
	s18 =	sadd.s32 @!p1 $0x490, s11  }
0x40: {  	[hbm4b:s2+s17] =	stream.indirect_vreg.scatter @!p0 [tilespmem:s18], [sflag:$0x2], $0x1, v1, vm0, $0xb8;
	v1 =	vor.u32 @!p1 $0xA0000, v0;
	[tilespmem:$0x3080] =	vst v63  }
0x41: {  	s20 =	smulhi.u32 $0x18618619, s20;
	v1 =	vadd.s32 @!p0 s13, v1  }
0x42: {  	s15 =	simm.s32 $0x1;
	s16 =	simm.s32 $0x100  }
0x43: {  	s15 =	simm.s32 @!p2 $0x0;
	s19 =	sadd.s32 @!p1 $0x4A0, s11;
	s31 =	sshrl.u32 s20, $0x1  }
0x44: {  	s14 =	simm.s32 $0x200;
	s20 =	smul.u32 $0xFFFFFF58, s31;
	v0 =	vor.u32 @!p1 $0xB0000, v0;
	s18 =	sadd.s32 @!p1 $0x4B0, s11  }
0x45: {  	s11 =	sadd.s32 $0x0, s15;
	s15 =	simm.s32 $0x1;
	v0 =	vadd.s32 @!p0 s13, v0;
	s13 =	simm.s32 $0x80  }
.LBB2_3:
0x46: {  	[hbm4b:s2+s17] =	stream.indirect_vreg.scatter @!p0 [tilespmem:s19], [sflag:$0x2], $0x1, v1, vm0, $0xb8;
	[tilespmem:$0x3080] =	vst v63  }
0x47: {  	s31 =	smov.u32 s14  }
0x48: {  	s14 =	sadd.s32 $0x100, s14;
	s0 =	simm.s32 $0x1;
	s19 =	sadd.s32 s20, s12  }
0x49: {  	p1 =	sne.s32 s14, $0x3000;
	p2 =	sgt.u32 s19, $0xA2;
	p3 =	slt.u32 s19, $0xA3  }
0x4a: {  	v1 =	vlaneseq.u32 @!p2;
	[hbm4b:s2+s17] =	stream.indirect_vreg.scatter @!p0 [tilespmem:s18], [sflag:$0x2], $0x1, v0, vm0, $0xb8;
	[tilespmem:$0x3080] =	vst v63  }
0x4b: {  	s17 =	sshrl.u32 @!p2 s12, $0x3;
	s16 =	sand.u32 @!p2 $0x3800, s16;
	s18 =	sand.u32 @!p2 $0x380, s13;
	v0 =	vld @!p2 [tilespmem:s15+$0x0];
	v1 =	vmul.u32 @!p2 $0x1000, v1  }
0x4c: {  	s0 =	simm.s32 @!p3 $0x0;
	s17 =	smulhi.u32 @!p2 $0x18618619, s17;
	s16 =	sor.u32 @!p2 s18, s16  }
0x4d: {  	s29 =	sadd.s32 @!p2 $0x80, s16;
	s25 =	sadd.s32 @!p2 $0x90, s16;
	s23 =	sadd.s32 @!p2 $0xA0, s16;
	v2 =	vor.u32 @!p2 $0x10000, v1;
	v3 =	vor.u32 @!p2 $0x20000, v1;
	v4 =	vor.u32 @!p2 $0x30000, v1  }
0x4e: {  	s26 =	sadd.s32 @!p2 $0xB0, s16;
	s24 =	sadd.s32 @!p2 $0xC0, s16;
	s17 =	sshrl.u32 @!p2 s17, $0x1;
	v5 =	vor.u32 @!p2 $0x40000, v1;
	v6 =	vor.u32 @!p2 $0x60000, v1;
	v7 =	vor.u32 @!p2 $0x80000, v1  }
0x4f: {  	s30 =	sadd.s32 @!p2 $0xD0, s16;
	s22 =	sadd.s32 @!p2 $0xE0, s16;
	v8 =	vor.u32 @!p2 $0x70000, v1;
	v9 =	vor.u32 @!p2 $0x90000, v1;
	v10 =	vor.u32 @!p2 $0xA0000, v1;
	s17 =	smul.u32 @!p2 $0xC0000, s17  }
0x50: {  	s28 =	sadd.s32 @!p2 $0xF0, s16;
	s21 =	sadd.s32 @!p2 $0x480, s16;
	s20 =	sadd.s32 @!p2 $0x490, s16;
	v11 =	vor.u32 @!p2 $0x50000, v1;
	v12 =	vor.u32 @!p2 $0xB0000, v1;
	(v2sf) =	vpush @!p2 v0, $0x0  }
0x51: {  	s11 =	sadd.s32 s0, s11;
	s19 =	sadd.s32 @!p2 $0x4A0, s16;
	s18 =	sadd.s32 @!p2 $0x4B0, s16  }
0x52: {  	p0 =	por p2, p2;
	s16 =	smov.u32 s31;
	_ =	sdelay $0xc  }
0x53: {  	s0 =	spop @!p2 (v2sf)  }
0x54: {  	s0 =	sadd.s32 @!p0 s17, s0  }
0x55: {  	v13 =	vadd.s32 @!p0 s0, v1;
	v2 =	vadd.s32 @!p0 s0, v2;
	v3 =	vadd.s32 @!p0 s0, v3  }
0x56: {  	v4 =	vadd.s32 @!p0 s0, v4;
	v5 =	vadd.s32 @!p0 s0, v5;
	v11 =	vadd.s32 @!p0 s0, v11  }
0x57: {  	v6 =	vadd.s32 @!p0 s0, v6;
	v8 =	vadd.s32 @!p0 s0, v8;
	v7 =	vadd.s32 @!p0 s0, v7  }
0x58: {  	v9 =	vadd.s32 @!p0 s0, v9;
	v1 =	vadd.s32 @!p0 s0, v10;
	v0 =	vadd.s32 @!p0 s0, v12  }
0x59: {  	vm0 =	vmmov @!p0 $0xffff;
	s17 =	simm.s32 @!p0 $0x0  }
0x5a: {  	[hbm4b:s2+s17] =	stream.indirect_vreg.scatter @!p0 [tilespmem:s29], [sflag:$0x2], $0x1, v13, vm0, $0xb8;
	[tilespmem:$0x3080] =	vst v63  }
0x5b: {  	_ = 	snop  }
0x5c: {  	[hbm4b:s2+s17] =	stream.indirect_vreg.scatter @!p0 [tilespmem:s25], [sflag:$0x2], $0x1, v2, vm0, $0xb8;
	[tilespmem:$0x3080] =	vst v63  }
0x5d: {  	_ = 	snop  }
0x5e: {  	[hbm4b:s2+s17] =	stream.indirect_vreg.scatter @!p0 [tilespmem:s23], [sflag:$0x2], $0x1, v3, vm0, $0xb8;
	[tilespmem:$0x3080] =	vst v63  }
0x5f: {  	_ = 	snop  }
0x60: {  	[hbm4b:s2+s17] =	stream.indirect_vreg.scatter @!p0 [tilespmem:s26], [sflag:$0x2], $0x1, v4, vm0, $0xb8;
	[tilespmem:$0x3080] =	vst v63  }
0x61: {  	_ = 	snop  }
0x62: {  	[hbm4b:s2+s17] =	stream.indirect_vreg.scatter @!p0 [tilespmem:s24], [sflag:$0x2], $0x1, v5, vm0, $0xb8;
	[tilespmem:$0x3080] =	vst v63  }
0x63: {  	s12 =	sadd.s32 $0x1, s12  }
0x64: {  	[hbm4b:s2+s17] =	stream.indirect_vreg.scatter @!p0 [tilespmem:s30], [sflag:$0x2], $0x1, v11, vm0, $0xb8;
	[tilespmem:$0x3080] =	vst v63  }
0x65: {  	s0 =	sshrl.u32 s12, $0x3  }
0x66: {  	[hbm4b:s2+s17] =	stream.indirect_vreg.scatter @!p0 [tilespmem:s22], [sflag:$0x2], $0x1, v6, vm0, $0xb8;
	[tilespmem:$0x3080] =	vst v63  }
0x67: {  	s0 =	smulhi.u32 $0x18618619, s0  }
0x68: {  	[hbm4b:s2+s17] =	stream.indirect_vreg.scatter @!p0 [tilespmem:s28], [sflag:$0x2], $0x1, v8, vm0, $0xb8;
	[tilespmem:$0x3080] =	vst v63  }
.Ltmp3:
0x69: {  	(pc) =	sbr.rel @p1 .LBB2_3-.Ltmp3, $4  }
0x6a: {  	[hbm4b:s2+s17] =	stream.indirect_vreg.scatter @!p0 [tilespmem:s21], [sflag:$0x2], $0x1, v7, vm0, $0xb8;
	[tilespmem:$0x3080] =	vst v63  }
0x6b: {  	s0 =	sshrl.u32 s0, $0x1  }
0x6c: {  	[hbm4b:s2+s17] =	stream.indirect_vreg.scatter @!p0 [tilespmem:s20], [sflag:$0x2], $0x1, v9, vm0, $0xb8;
	[tilespmem:$0x3080] =	vst v63  }
0x6d: {  	s13 =	sadd.s32 $0x80, s13;
	s15 =	sadd.s32 $0x1, s15;
	s20 =	smul.u32 $0xFFFFFF58, s0  }
0x6e: {  	_ =	sdelay $0x3  }
0x6f: {  	[hbm4b:s2+s17] =	stream.indirect_vreg.scatter @!p0 [tilespmem:s19], [sflag:$0x2], $0x1, v1, vm0, $0xb8;
	[tilespmem:$0x3080] =	vst v63  }
0x70: {  	s0 =	sadd.s32 s20, s12  }
0x71: {  	p1 =	sgt.u32 s0, $0xA2  }
0x72: {  	[hbm4b:s2+s17] =	stream.indirect_vreg.scatter @!p0 [tilespmem:s18], [sflag:$0x2], $0x1, v0, vm0, $0xb8;
	[tilespmem:$0x3080] =	vst v63  }
0x73: {  	v0 =	vld @!p1 [tilespmem:s15+$0x0];
	_ =	sdelay $0x4  }
0x74: {  	(v2sf) =	vpush @!p1 v0, $0x0;
	_ =	sdelay $0x9  }
0x75: {  	s12 =	sshrl.u32 @!p1 s12, $0x3  }
0x76: {  	s12 =	smulhi.u32 @!p1 $0x18618619, s12;
	_ =	sdelay $0x1  }
0x77: {  	s12 =	sshrl.u32 @!p1 s12, $0x1  }
0x78: {  	s12 =	smul.u32 @!p1 $0xC0000, s12;
	v0 =	vlaneseq.u32 @!p1  }
0x79: {  	p0 =	por p1, p1;
	v0 =	vmul.u32 @!p1 $0x1000, v0;
	s14 =	spop @!p1 (v2sf)  }
0x7a: {  	s12 =	sadd.s32 @!p0 s12, s14  }
0x7b: {  	v1 =	vadd.s32 @!p0 s12, v0  }
0x7c: {  	v2 =	vor.u32 @!p1 $0x10000, v0  }
0x7d: {  	s13 =	sand.u32 @!p1 $0x380, s13;
	s14 =	sand.u32 @!p1 $0x3800, s16;
	v2 =	vadd.s32 @!p0 s12, v2  }
0x7e: {  	v3 =	vor.u32 @!p1 $0x20000, v0;
	s13 =	sor.u32 @!p1 s13, s14  }
0x7f: {  	vm0 =	vmmov @!p0 $0xffff;
	s15 =	simm.s32 @!p0 $0x0;
	v3 =	vadd.s32 @!p0 s12, v3;
	s14 =	sadd.s32 @!p1 $0x80, s13  }
0x80: {  	v4 =	vor.u32 @!p1 $0x30000, v0;
	[hbm4b:s2+s15] =	stream.indirect_vreg.scatter @!p0 [tilespmem:s14], [sflag:$0x2], $0x1, v1, vm0, $0xb8;
	[tilespmem:$0x3080] =	vst v63  }
0x81: {  	s14 =	sadd.s32 @!p1 $0x90, s13;
	v1 =	vadd.s32 @!p0 s12, v4  }
0x82: {  	v4 =	vor.u32 @!p1 $0x40000, v0;
	[hbm4b:s2+s15] =	stream.indirect_vreg.scatter @!p0 [tilespmem:s14], [sflag:$0x2], $0x1, v2, vm0, $0xb8;
	[tilespmem:$0x3080] =	vst v63  }
0x83: {  	s14 =	sadd.s32 @!p1 $0xA0, s13;
	v2 =	vadd.s32 @!p0 s12, v4  }
0x84: {  	v4 =	vor.u32 @!p1 $0x50000, v0;
	[hbm4b:s2+s15] =	stream.indirect_vreg.scatter @!p0 [tilespmem:s14], [sflag:$0x2], $0x1, v3, vm0, $0xb8;
	[tilespmem:$0x3080] =	vst v63  }
0x85: {  	s14 =	sadd.s32 @!p1 $0xB0, s13;
	v3 =	vadd.s32 @!p0 s12, v4  }
0x86: {  	v4 =	vor.u32 @!p1 $0x60000, v0;
	[hbm4b:s2+s15] =	stream.indirect_vreg.scatter @!p0 [tilespmem:s14], [sflag:$0x2], $0x1, v1, vm0, $0xb8;
	[tilespmem:$0x3080] =	vst v63  }
0x87: {  	s14 =	sadd.s32 @!p1 $0xC0, s13;
	v1 =	vadd.s32 @!p0 s12, v4  }
0x88: {  	v4 =	vor.u32 @!p1 $0x70000, v0;
	[hbm4b:s2+s15] =	stream.indirect_vreg.scatter @!p0 [tilespmem:s14], [sflag:$0x2], $0x1, v2, vm0, $0xb8;
	[tilespmem:$0x3080] =	vst v63  }
0x89: {  	s14 =	sadd.s32 @!p1 $0xD0, s13;
	v2 =	vadd.s32 @!p0 s12, v4  }
0x8a: {  	v4 =	vor.u32 @!p1 $0x80000, v0;
	[hbm4b:s2+s15] =	stream.indirect_vreg.scatter @!p0 [tilespmem:s14], [sflag:$0x2], $0x1, v3, vm0, $0xb8;
	[tilespmem:$0x3080] =	vst v63  }
0x8b: {  	s14 =	sadd.s32 @!p1 $0xE0, s13;
	v3 =	vadd.s32 @!p0 s12, v4  }
0x8c: {  	v4 =	vor.u32 @!p1 $0x90000, v0;
	[hbm4b:s2+s15] =	stream.indirect_vreg.scatter @!p0 [tilespmem:s14], [sflag:$0x2], $0x1, v1, vm0, $0xb8;
	[tilespmem:$0x3080] =	vst v63  }
0x8d: {  	s14 =	sadd.s32 @!p1 $0xF0, s13;
	v1 =	vadd.s32 @!p0 s12, v4  }
0x8e: {  	v4 =	vor.u32 @!p1 $0xA0000, v0;
	[hbm4b:s2+s15] =	stream.indirect_vreg.scatter @!p0 [tilespmem:s14], [sflag:$0x2], $0x1, v2, vm0, $0xb8;
	[tilespmem:$0x3080] =	vst v63  }
0x8f: {  	p2 =	slt.u32 s0, $0xA3;
	s0 =	simm.s32 $0x1;
	s14 =	sadd.s32 @!p1 $0x480, s13;
	v2 =	vadd.s32 @!p0 s12, v4  }
0x90: {  	v0 =	vor.u32 @!p1 $0xB0000, v0;
	[hbm4b:s2+s15] =	stream.indirect_vreg.scatter @!p0 [tilespmem:s14], [sflag:$0x2], $0x1, v3, vm0, $0xb8;
	[tilespmem:$0x3080] =	vst v63  }
0x91: {  	s0 =	simm.s32 @!p2 $0x0;
	v0 =	vadd.s32 @!p0 s12, v0;
	s14 =	sadd.s32 @!p1 $0x490, s13  }
0x92: {  	[hbm4b:s2+s15] =	stream.indirect_vreg.scatter @!p0 [tilespmem:s14], [sflag:$0x2], $0x1, v1, vm0, $0xb8;
	[tilespmem:$0x3080] =	vst v63  }
0x93: {  	s0 =	sadd.s32 s0, s11;
	s12 =	sadd.s32 @!p1 $0x4A0, s13  }
0x94: {  	[hbm4b:s2+s15] =	stream.indirect_vreg.scatter @!p0 [tilespmem:s12], [sflag:$0x2], $0x1, v2, vm0, $0xb8;
	[tilespmem:$0x3080] =	vst v63  }
0x95: {  	s11 =	smul.u32 $0xC, s0;
	s12 =	sadd.s32 @!p1 $0x4B0, s13  }
0x96: {  	[hbm4b:s2+s15] =	stream.indirect_vreg.scatter @!p0 [tilespmem:s12], [sflag:$0x2], $0x1, v0, vm0, $0xb8;
	[tilespmem:$0x3080] =	vst v63  }
0x97: {  	p0 =	slt.s32 s11, $0x1  }
.Ltmp4:
0x98: {  	_ = 	snop;
	(pc) =	sbr.rel @p0 .LBB2_8-.Ltmp4, $1  }
0x99: {  	_ =	sdelay $0x3  }
0x9a: {  	p0 =	sne.s32 s11, $0x1  }
.Ltmp5:
0x9b: {  	_ = 	snop;
	(pc) =	sbr.rel @!p0 .LBB2_7-.Ltmp5, $3  }
0x9c: {  	_ =	sdelay $0x1  }
0x9d: {  	_ =	swait.ge [sflag:s10], $0x10  }
0x9e: {  	s11 =	sadd.s32 $0xFFFFFFFF, s11;
	[sflag:s10] =	ssyncset.done $0x0  }
.LBB2_6:
0x9f: {  	p0 =	sne.s32 s11, $0x1;
	s11 =	sadd.s32 $0xFFFFFFFF, s11;
	[sflag:s10] =	ssyncadd.s32 $0xFFFFFFF0  }
.Ltmp6:
0xa0: {  	(pc) =	sbr.rel @p0 .LBB2_6-.Ltmp6, $3  }
0xa1: {  	_ =	sdelay $0x1  }
0xa2: {  	_ =	swait.ge [sflag:s10], $0x10  }
0xa3: {  	[sflag:s10] =	ssyncset.done $0x0  }
.Ltmp7:
0xa4: {  	_ = 	snop;
	(pc) =	sbr.rel .LBB2_7-.Ltmp7, $1  }
0xa5: {  	_ =	sdelay $0x3  }
.LBB2_9:
0xa6: {  	_ =	sfence.sel $0x180000  }
0xa7: {  	[bflag:$0x0] =	sbarrier.arrive $0xFFFF  }
0xa8: {  	_ =	strace $0x90000047  }
0xa9: {  	[bflag:$0x2] =	sbarrier.arrive $0xFFFF  }
0xaa: {  	p0 =	sne.s32 s1, $0x0;
	s0 =	rddreg [dreg:$0x2]  }
0xab: {  	s0 =	sadd.s32 @!p0 $0x100000, s0  }
0xac: {  	[sflag:s0] =	ssyncadd.tile.s32 @!p0 $0x1;
	_ =	shalt  }
.Lfunc_end2:
_tile_overlayer_lowered:
.L_overlay_start_2:
0xad: {  	(tag) =	ssettag $0x2  }
0xae: {  	s0 =	rddreg [dreg:$0x0];
	s2 =	stileid.u32  }
0xaf: {  	s1 =	rddreg [dreg:$0x1];
	p0 =	sne.s32 s2, $0x0  }
0xb0: {  	s3 =	rddreg [dreg:$0x2];
	[bflag:$0x3] =	sbarrier.arrive $0xFFFF;
	s2 =	simm.s32 @!p0 $0x1C03  }
0xb1: {  	[timem:s3], [sflag:s2] =	dma.local @!p0 [hbm:s0], s1  }
0xb2: {  	s0 =	simm.s32 @!p0 $0x3  }
0xb3: {  	_ =	swait.ge @!p0 [sflag:s0], s1  }
0xb4: {  	s1 =	ssub.s32 @!p0 $0x0, s1;
	[sflag:s0] =	ssyncset.done @!p0 $0x0  }
0xb5: {  	[sflag:s0] =	ssyncadd.s32 @!p0 s1  }
0xb6: {  	[bflag:$0x3] =	sbarrier.arrive $0xFFFF  }
0xb7: {  	_ =	shalt  }

</sc_bundles>
